<compile_context>
chip_gen: v7x
topology: tpu7x:2x2x1
jax: 0.10.2.dev20260603
libtpu: 0.0.44.dev20260713+nightly
codegen_flags: <defaults>
</compile_context>

<pallas_src>
import functools

import jax
import jax.numpy as jnp
from jax import lax
from jax.experimental import pallas as pl
from jax.experimental.pallas import tpu as pltpu
from jax.experimental.pallas import tpu_sc as plsc

N = 10000
E = 320000
D = 128

NC = 2
NS = 16
NW = NC * NS
K = 128
EPT = 10240
EP = NW * EPT
CHUNKS = EPT // K
CPP = 40
FCH = 80
SCH = 80
ACC_ROWS = 10240
RPT = ACC_ROWS // NS


def _mesh():
    return plsc.VectorSubcoreMesh(
        core_axis_name="c", subcore_axis_name="s", num_cores=NC, num_subcores=NS)


def _sc_segment_sum():

    @functools.partial(
        pl.kernel,
        out_type=[jax.ShapeDtypeStruct((NC, ACC_ROWS, D), jnp.float32)],
        mesh=_mesh(),
        scratch_types=dict(
            acc=pltpu.VMEM_SHARED((ACC_ROWS, D), jnp.float32),
            srcv=pltpu.VMEM((CPP, K), jnp.int32),
            dstv=pltpu.VMEM((CPP, K), jnp.int32),
            rows=pltpu.VMEM((2, K, D), jnp.float32),
            gsem=pltpu.SemaphoreType.DMA,
            ssem=pltpu.SemaphoreType.DMA((2,)),
        ))
    def body(table_hbm, src_hbm, dst_hbm, zf_hbm, s_out,
             *, acc, srcv, dstv, rows, gsem, ssem):
        c = lax.axis_index("c")
        s = lax.axis_index("s")

        pltpu.sync_copy(zf_hbm, acc.at[pl.ds(RPT * s, RPT)])
        plsc.subcore_barrier()

        def gather(i, p):
            pltpu.async_copy(table_hbm.at[srcv.at[i]], rows.at[p], gsem)

        def gwait(i, p):
            pltpu.make_async_copy(table_hbm.at[srcv.at[i]], rows.at[p],
                                  gsem).wait()

        def scat(i, p):
            pltpu.async_copy(rows.at[p], acc.at[dstv.at[i]], ssem.at[p],
                             add=True)

        def swait(i, p):
            pltpu.make_async_copy(rows.at[p], acc.at[dstv.at[i]],
                                  ssem.at[p]).wait()

        def ebody(i, carry):
            p = lax.rem(i, 2)
            gwait(i, p)

            @pl.when(i < CPP - 1)
            def _():
                @pl.when(i >= 1)
                def _():
                    swait(i - 1, 1 - p)
                gather(i + 1, 1 - p)

            scat(i, p)
            return carry

        base_chunk = jnp.where(c == 1, s * FCH, NS * FCH + s * SCH)

        for ph in range(FCH // CPP):
            c0 = base_chunk + ph * CPP
            pltpu.sync_copy(src_hbm.at[pl.ds(c0, CPP)], srcv)
            pltpu.sync_copy(dst_hbm.at[pl.ds(c0, CPP)], dstv)
            gather(0, 0)
            lax.fori_loop(0, CPP, ebody, 0)
            swait(CPP - 2, 0)
            swait(CPP - 1, 1)
        plsc.subcore_barrier()

        pltpu.sync_copy(acc.at[pl.ds(RPT * s, RPT)], s_out.at[c, pl.ds(RPT * s, RPT)])

    return body


def _sc_count():

    @functools.partial(
        pl.kernel,
        out_type=[jax.ShapeDtypeStruct((NC, ACC_ROWS, D), jnp.float32)],
        mesh=_mesh(),
        scratch_types=dict(
            acc=pltpu.VMEM_SHARED((ACC_ROWS, D), jnp.float32),
            dstv=pltpu.VMEM((CPP, K), jnp.int32),
            onesv=pltpu.VMEM((K, D), jnp.float32),
            sem=pltpu.SemaphoreType.DMA,
        ))
    def body(dst_hbm, zf_hbm, c_out, *, acc, dstv, onesv, sem):
        c = lax.axis_index("c")
        s = lax.axis_index("s")
        wid = s * NC + c
        one16 = jnp.ones((16,), jnp.float32)

        def fill(i, carry):
            for j in range(D // 16):
                onesv[i, pl.ds(j * 16, 16)] = one16
            return carry

        lax.fori_loop(0, K, fill, 0)
        pltpu.sync_copy(zf_hbm, acc.at[pl.ds(RPT * s, RPT)])
        plsc.subcore_barrier()

        def ebody(i, carry):
            pltpu.async_copy(onesv, acc.at[dstv.at[i]], sem, add=True)
            return carry

        def edrain(i, carry):
            pltpu.make_async_copy(onesv, acc.at[dstv.at[i]], sem).wait()
            return carry

        for p in range(CHUNKS // CPP):
            pltpu.sync_copy(dst_hbm.at[pl.ds(wid * CHUNKS + p * CPP, CPP)], dstv)
            lax.fori_loop(0, CPP, ebody, 0)
            lax.fori_loop(0, CPP, edrain, 0)
        plsc.subcore_barrier()
        pltpu.sync_copy(acc.at[pl.ds(RPT * s, RPT)], c_out.at[c, pl.ds(RPT * s, RPT)])

    return body


def _tc_combine(do_relu: bool):
    R = 2000

    def body(s_ref, c_ref, f_ref, wl_ref, b_ref, wr_ref, o_ref):
        ssum = s_ref[0] + s_ref[1]
        cnt = c_ref[0, :, 0:1] + c_ref[1, :, 0:1]
        mean = ssum / jnp.maximum(cnt, 1.0)
        acc = (jnp.dot(mean, wl_ref[...], preferred_element_type=jnp.float32)
               + jnp.dot(f_ref[...], wr_ref[...], preferred_element_type=jnp.float32)
               + b_ref[...])
        if do_relu:
            acc = jnp.maximum(acc, 0.0)
        o_ref[...] = acc

    return pl.pallas_call(
        body,
        grid=(N // R,),
        in_specs=[
            pl.BlockSpec((2, R, D), lambda i: (0, i, 0)),
            pl.BlockSpec((2, R, D), lambda i: (0, i, 0)),
            pl.BlockSpec((R, D), lambda i: (i, 0)),
            pl.BlockSpec((D, D), lambda i: (0, 0)),
            pl.BlockSpec((1, D), lambda i: (0, 0)),
            pl.BlockSpec((D, D), lambda i: (0, 0)),
        ],
        out_specs=pl.BlockSpec((R, D), lambda i: (i, 0)),
        out_shape=jax.ShapeDtypeStruct((N, D), jnp.float32),
    )


def kernel(x, edge_index, W1_l, b1_l, W1_r, W2_l, b2_l, W2_r):
    src = edge_index[0]
    dst = edge_index[1]
    pad = EP - E
    pr = jnp.arange(pad, dtype=jnp.int32)
    srcp = jnp.concatenate([src, pr % N]).reshape(EP // K, K)
    dstp = jnp.concatenate([dst, N + pr % (ACC_ROWS - N)]).reshape(EP // K, K)

    zf = jnp.zeros((RPT, D), jnp.float32)

    (cnt,) = _sc_count()(dstp, zf)
    (s1,) = _sc_segment_sum()(x, srcp, dstp, zf)

    h = _tc_combine(True)(s1, cnt, x, W1_l.T, b1_l.reshape(1, D), W1_r.T)

    (s2,) = _sc_segment_sum()(h, srcp, dstp, zf)

    out = _tc_combine(False)(s2, cnt, h, W2_l.T, b2_l.reshape(1, D), W2_r.T)
    return out

# --- scband reference (transcript-rebuilt; emitter-appended) ---
"""Pipeline reference for scband-graph-sagemodel-17944373363173 (READ-ONLY COPY).

The authoritative reference and input builder live on the scoring server;
editing this copy changes nothing except your own understanding.
"""

import jax, jax.numpy as jnp
import numpy as np

N = 10000
E = 320000
D_IN = 128
D_H = 128
D_OUT = 128


def _sage_conv(x, src, dst, W_l, b_l, W_r):
    # PyG SAGEConv (mean aggregation):
    #   out = lin_l(mean_{j in N(i)} x_j) + lin_r(x_i)
    msgs = jnp.take(x, src, axis=0)                     # gather source features [E, d]
    summed = jax.ops.segment_sum(msgs, dst, num_segments=N)
    cnt = jax.ops.segment_sum(jnp.ones((src.shape[0],), dtype=x.dtype), dst, num_segments=N)
    mean = summed / jnp.clip(cnt, 1.0)[:, None]
    return mean @ W_l.T + b_l + x @ W_r.T


def setup_inputs(seed: int = 0) -> dict:
    key = jax.random.key(seed)
    ks = jax.random.split(key, 8)
    x = jax.random.normal(ks[0], (N, D_IN), dtype=jnp.float32)
    edge_index = jax.random.randint(ks[1], (2, E), 0, N, dtype=jnp.int32)
    s1 = 1.0 / np.sqrt(D_IN)
    s2 = 1.0 / np.sqrt(D_H)
    W1_l = jax.random.uniform(ks[2], (D_H, D_IN), dtype=jnp.float32, minval=-s1, maxval=s1)
    b1_l = jnp.zeros((D_H,), dtype=jnp.float32)
    W1_r = jax.random.uniform(ks[3], (D_H, D_IN), dtype=jnp.float32, minval=-s1, maxval=s1)
    W2_l = jax.random.uniform(ks[4], (D_OUT, D_H), dtype=jnp.float32, minval=-s2, maxval=s2)
    b2_l = jnp.zeros((D_OUT,), dtype=jnp.float32)
    W2_r = jax.random.uniform(ks[5], (D_OUT, D_H), dtype=jnp.float32, minval=-s2, maxval=s2)
    return {"x": x, "edge_index": edge_index, "W1_l": W1_l, "b1_l": b1_l, "W1_r": W1_r,
            "W2_l": W2_l, "b2_l": b2_l, "W2_r": W2_r}


def reference(x, edge_index, W1_l, b1_l, W1_r, W2_l, b2_l, W2_r):
    src = edge_index[0]
    dst = edge_index[1]
    h = _sage_conv(x, src, dst, W1_l, b1_l, W1_r)
    h = jax.nn.relu(h)
    # dropout is identity in eval mode
    out = _sage_conv(h, src, dst, W2_l, b2_l, W2_r)
    return out

if __name__ == "__main__":
    import jax
    _d = setup_inputs()
    print(jax.jit(kernel)(*tuple(_d.values())))

</pallas_src>

<mosaic_0001>
#map = affine_map<(d0, d1) -> (0, 0)>
#map1 = affine_map<(d0, d1) -> (0, 0, 0)>
module attributes {stable_mosaic.version = 14 : i64} {
  func.func @body(%arg0: i32, %arg1: i32, %arg2: memref<10000x128xf32, #tpu.memory_space<hbm>>, %arg3: memref<2560x128xi32, #tpu.memory_space<hbm>>, %arg4: memref<2560x128xi32, #tpu.memory_space<hbm>>, %arg5: memref<640x128xf32, #tpu.memory_space<hbm>>, %arg6: memref<2x10240x128xf32, #tpu.memory_space<hbm>>, %arg7: memref<10240x128xf32, #tpu.memory_space<vmem_shared>>, %arg8: memref<40x128xi32, #tpu.memory_space<vmem>>, %arg9: memref<!tpu.dma_semaphore, #tpu.memory_space<semaphore_mem>>, %arg10: memref<2x128x128xf32, #tpu.memory_space<vmem>>, %arg11: memref<40x128xi32, #tpu.memory_space<vmem>>, %arg12: memref<2x!tpu.dma_semaphore, #tpu.memory_space<semaphore_mem>>) attributes {dimension_semantics = [#tpu.dimension_semantics<core_parallel>, #tpu.dimension_semantics<subcore_parallel>], iteration_bounds = array<i64: 2, 16>, scalar_prefetch = 0 : i64, scratch_operands = 6 : i64, tpu.core_type = #tpu.core_type<sc_vector_subcore>, window_params = [{transform_indices = #map}, {transform_indices = #map}, {transform_indices = #map}, {transform_indices = #map}, {transform_indices = #map1}]} {
    %mul3A = arith.constant 640 : i32
    %mul3A_0 = arith.muli %mul3A, %arg1 : i32
    "tpu.region"() ({
      %run_scoped3A = tpu.sem_alloc : memref<!tpu.dma_semaphore, #tpu.memory_space<semaphore_mem>>
      %dma_start3A_109 = arith.constant 0 : i32
      %dma_start3A_110 = tpu.memref_slice %arg7[%mul3A_0, %dma_start3A_109] : memref<10240x128xf32, #tpu.memory_space<vmem_shared>> -> memref<640x128xf32, #tpu.memory_space<vmem_shared>>
      tpu.enqueue_dma source(%arg5 : memref<640x128xf32, #tpu.memory_space<hbm>>) target(%dma_start3A_110 : memref<640x128xf32, #tpu.memory_space<vmem_shared>>) target_semaphore(%run_scoped3A : memref<!tpu.dma_semaphore, #tpu.memory_space<semaphore_mem>>)
      %dma_wait3A_111 = arith.constant 0 : i32
      %dma_wait3A_112 = tpu.memref_slice %arg7[%mul3A_0, %dma_wait3A_111] : memref<10240x128xf32, #tpu.memory_space<vmem_shared>> -> memref<640x128xf32, #tpu.memory_space<vmem_shared>>
      tpu.wait_dma2 semaphore(%run_scoped3A : memref<!tpu.dma_semaphore, #tpu.memory_space<semaphore_mem>>) src(%arg5 : memref<640x128xf32, #tpu.memory_space<hbm>>) dst(%dma_wait3A_112 : memref<640x128xf32, #tpu.memory_space<vmem_shared>>)
      tpu.yield
    }) : () -> ()
    %barrier3A = arith.constant 0 : index
    tpu.barrier barrier_id(%barrier3A)
    %eq3A = arith.constant 1 : i32
    %eq3A_1 = arith.cmpi eq, %arg0, %eq3A : i32
    %mul3A_2 = arith.constant 80 : i32
    %mul3A_3 = arith.muli %arg1, %mul3A_2 : i32
    %mul3A_4 = arith.constant 80 : i32
    %mul3A_5 = arith.muli %arg1, %mul3A_4 : i32
    %add3A = arith.constant 1280 : i32
    %add3A_6 = arith.addi %add3A, %mul3A_5 : i32
    %select_n3A = arith.select %eq3A_1, %mul3A_3, %add3A_6 : i32
    %add3A_7 = arith.constant 0 : i32
    %add3A_8 = arith.addi %select_n3A, %add3A_7 : i32
    "tpu.region"() ({
      %run_scoped3A = tpu.sem_alloc : memref<!tpu.dma_semaphore, #tpu.memory_space<semaphore_mem>>
      %dma_start3A_109 = arith.constant 0 : i32
      %dma_start3A_110 = tpu.memref_slice %arg3[%add3A_8, %dma_start3A_109] : memref<2560x128xi32, #tpu.memory_space<hbm>> -> memref<40x128xi32, #tpu.memory_space<hbm>>
      %dma_start3A_111 = arith.constant 0 : i32
      %dma_start3A_112 = tpu.memref_slice %arg3[%add3A_8, %dma_start3A_111] : memref<2560x128xi32, #tpu.memory_space<hbm>> -> memref<40x128xi32, #tpu.memory_space<hbm>>
      tpu.enqueue_dma source(%dma_start3A_112 : memref<40x128xi32, #tpu.memory_space<hbm>>) target(%arg11 : memref<40x128xi32, #tpu.memory_space<vmem>>) target_semaphore(%run_scoped3A : memref<!tpu.dma_semaphore, #tpu.memory_space<semaphore_mem>>)
      %dma_wait3A_113 = arith.constant 0 : i32
      %dma_wait3A_114 = tpu.memref_slice %arg3[%add3A_8, %dma_wait3A_113] : memref<2560x128xi32, #tpu.memory_space<hbm>> -> memref<40x128xi32, #tpu.memory_space<hbm>>
      %dma_wait3A_115 = arith.constant 0 : i32
      %dma_wait3A_116 = tpu.memref_slice %arg3[%add3A_8, %dma_wait3A_115] : memref<2560x128xi32, #tpu.memory_space<hbm>> -> memref<40x128xi32, #tpu.memory_space<hbm>>
      tpu.wait_dma2 semaphore(%run_scoped3A : memref<!tpu.dma_semaphore, #tpu.memory_space<semaphore_mem>>) src(%dma_wait3A_116 : memref<40x128xi32, #tpu.memory_space<hbm>>) dst(%arg11 : memref<40x128xi32, #tpu.memory_space<vmem>>)
      tpu.yield
    }) : () -> ()
    "tpu.region"() ({
      %run_scoped3A = tpu.sem_alloc : memref<!tpu.dma_semaphore, #tpu.memory_space<semaphore_mem>>
      %dma_start3A_109 = arith.constant 0 : i32
      %dma_start3A_110 = tpu.memref_slice %arg4[%add3A_8, %dma_start3A_109] : memref<2560x128xi32, #tpu.memory_space<hbm>> -> memref<40x128xi32, #tpu.memory_space<hbm>>
      %dma_start3A_111 = arith.constant 0 : i32
      %dma_start3A_112 = tpu.memref_slice %arg4[%add3A_8, %dma_start3A_111] : memref<2560x128xi32, #tpu.memory_space<hbm>> -> memref<40x128xi32, #tpu.memory_space<hbm>>
      tpu.enqueue_dma source(%dma_start3A_112 : memref<40x128xi32, #tpu.memory_space<hbm>>) target(%arg8 : memref<40x128xi32, #tpu.memory_space<vmem>>) target_semaphore(%run_scoped3A : memref<!tpu.dma_semaphore, #tpu.memory_space<semaphore_mem>>)
      %dma_wait3A_113 = arith.constant 0 : i32
      %dma_wait3A_114 = tpu.memref_slice %arg4[%add3A_8, %dma_wait3A_113] : memref<2560x128xi32, #tpu.memory_space<hbm>> -> memref<40x128xi32, #tpu.memory_space<hbm>>
      %dma_wait3A_115 = arith.constant 0 : i32
      %dma_wait3A_116 = tpu.memref_slice %arg4[%add3A_8, %dma_wait3A_115] : memref<2560x128xi32, #tpu.memory_space<hbm>> -> memref<40x128xi32, #tpu.memory_space<hbm>>
      tpu.wait_dma2 semaphore(%run_scoped3A : memref<!tpu.dma_semaphore, #tpu.memory_space<semaphore_mem>>) src(%dma_wait3A_116 : memref<40x128xi32, #tpu.memory_space<hbm>>) dst(%arg8 : memref<40x128xi32, #tpu.memory_space<vmem>>)
      tpu.yield
    }) : () -> ()
    %dma_start3A = arith.constant 0 : i32
    %dma_start3A_9 = arith.constant 0 : i32
    %dma_start3A_10 = arith.constant 0 : i32
    %dma_start3A_11 = arith.constant 0 : i32
    %dma_start3A_12 = tpu.memref_slice %arg10[%dma_start3A_9, %dma_start3A_10, %dma_start3A_11] : memref<2x128x128xf32, #tpu.memory_space<vmem>> -> memref<1x128x128xf32, #tpu.memory_space<vmem>>
    %dma_start3A_13 = tpu.memref_squeeze %dma_start3A_12 : memref<1x128x128xf32, #tpu.memory_space<vmem>> -> memref<128x128xf32, #tpu.memory_space<vmem>>
    %dma_start3A_14 = arith.constant 0 : i32
    %dma_start3A_15 = tpu.memref_slice %arg11[%dma_start3A, %dma_start3A_14] : memref<40x128xi32, #tpu.memory_space<vmem>> -> memref<1x128xi32, #tpu.memory_space<vmem>>
    %dma_start3A_16 = tpu.memref_squeeze %dma_start3A_15 : memref<1x128xi32, #tpu.memory_space<vmem>> -> memref<128xi32, #tpu.memory_space<vmem>>
    %dma_start3A_17 = arith.constant 0 : i32
    %dma_start3A_18 = arith.constant 0 : i32
    %dma_start3A_19 = tpu.memref_slice %arg2[%dma_start3A_17, %dma_start3A_18] : memref<10000x128xf32, #tpu.memory_space<hbm>> -> memref<10000x128xf32, #tpu.memory_space<hbm>>
    tpu.enqueue_indirect_dma source(%dma_start3A_19 : memref<10000x128xf32, #tpu.memory_space<hbm>>) target(%dma_start3A_13 : memref<128x128xf32, #tpu.memory_space<vmem>>) offsets(%dma_start3A_16 : memref<128xi32, #tpu.memory_space<vmem>>) semaphore(%arg9 : memref<!tpu.dma_semaphore, #tpu.memory_space<semaphore_mem>>)
    %scan3A = arith.constant 0 : i32
    %scan3A_20 = arith.constant 0 : i32
    %scan3A_21 = arith.constant 40 : i32
    %scan3A_22 = arith.addi %scan3A_20, %scan3A_21 : i32
    %scan3A_23 = arith.constant 1 : i32
    scf.for %scan3A_109 = %scan3A_20 to %scan3A_22 step %scan3A_23  : i32 {
      %rem3A = arith.constant 2 : i32
      %rem3A_110 = arith.remsi %scan3A_109, %rem3A : i32
      %dma_wait3A_111 = arith.constant 0 : i32
      %dma_wait3A_112 = arith.constant 0 : i32
      %dma_wait3A_113 = tpu.memref_slice %arg10[%rem3A_110, %dma_wait3A_111, %dma_wait3A_112] : memref<2x128x128xf32, #tpu.memory_space<vmem>> -> memref<1x128x128xf32, #tpu.memory_space<vmem>>
      %dma_wait3A_114 = tpu.memref_squeeze %dma_wait3A_113 : memref<1x128x128xf32, #tpu.memory_space<vmem>> -> memref<128x128xf32, #tpu.memory_space<vmem>>
      %dma_wait3A_115 = arith.constant 0 : i32
      %dma_wait3A_116 = tpu.memref_slice %arg11[%scan3A_109, %dma_wait3A_115] : memref<40x128xi32, #tpu.memory_space<vmem>> -> memref<1x128xi32, #tpu.memory_space<vmem>>
      %dma_wait3A_117 = tpu.memref_squeeze %dma_wait3A_116 : memref<1x128xi32, #tpu.memory_space<vmem>> -> memref<128xi32, #tpu.memory_space<vmem>>
      %dma_wait3A_118 = arith.constant 0 : i32
      %dma_wait3A_119 = arith.constant 0 : i32
      %dma_wait3A_120 = tpu.memref_slice %arg2[%dma_wait3A_118, %dma_wait3A_119] : memref<10000x128xf32, #tpu.memory_space<hbm>> -> memref<10000x128xf32, #tpu.memory_space<hbm>>
      tpu.wait_indirect_dma semaphore(%arg9 : memref<!tpu.dma_semaphore, #tpu.memory_space<semaphore_mem>>) src(%dma_wait3A_120 : memref<10000x128xf32, #tpu.memory_space<hbm>>) dst(%dma_wait3A_114 : memref<128x128xf32, #tpu.memory_space<vmem>>)
      %lt3A = arith.constant 39 : i32
      %lt3A_121 = arith.cmpi slt, %scan3A_109, %lt3A : i32
      %convert_element_type3A = arith.extui %lt3A_121 : i1 to i32
      %cond3A = arith.constant 0 : i32
      %cond3A_122 = arith.cmpi ne, %convert_element_type3A, %cond3A : i32
      scf.if %cond3A_122 {
        %ge3A = arith.constant 1 : i32
        %ge3A_135 = arith.cmpi sge, %scan3A_109, %ge3A : i32
        %convert_element_type3A_136 = arith.extui %ge3A_135 : i1 to i32
        %cond3A_137 = arith.constant 0 : i32
        %cond3A_138 = arith.cmpi ne, %convert_element_type3A_136, %cond3A_137 : i32
        scf.if %cond3A_138 {
          %sub3A_152 = arith.constant 1 : i32
          %sub3A_153 = arith.subi %scan3A_109, %sub3A_152 : i32
          %sub3A_154 = arith.constant 1 : i32
          %sub3A_155 = arith.subi %sub3A_154, %rem3A_110 : i32
          %dma_wait3A_156 = arith.constant 0 : i32
          %dma_wait3A_157 = arith.constant 0 : i32
          %dma_wait3A_158 = tpu.memref_slice %arg10[%sub3A_155, %dma_wait3A_156, %dma_wait3A_157] : memref<2x128x128xf32, #tpu.memory_space<vmem>> -> memref<1x128x128xf32, #tpu.memory_space<vmem>>
          %dma_wait3A_159 = tpu.memref_squeeze %dma_wait3A_158 : memref<1x128x128xf32, #tpu.memory_space<vmem>> -> memref<128x128xf32, #tpu.memory_space<vmem>>
          %dma_wait3A_160 = arith.constant 0 : i32
          %dma_wait3A_161 = tpu.memref_slice %arg8[%sub3A_153, %dma_wait3A_160] : memref<40x128xi32, #tpu.memory_space<vmem>> -> memref<1x128xi32, #tpu.memory_space<vmem>>
          %dma_wait3A_162 = tpu.memref_squeeze %dma_wait3A_161 : memref<1x128xi32, #tpu.memory_space<vmem>> -> memref<128xi32, #tpu.memory_space<vmem>>
          %dma_wait3A_163 = arith.constant 0 : i32
          %dma_wait3A_164 = arith.constant 0 : i32
          %dma_wait3A_165 = tpu.memref_slice %arg7[%dma_wait3A_163, %dma_wait3A_164] : memref<10240x128xf32, #tpu.memory_space<vmem_shared>> -> memref<10240x128xf32, #tpu.memory_space<vmem_shared>>
          %dma_wait3A_166 = tpu.memref_slice %arg12[%sub3A_155] : memref<2x!tpu.dma_semaphore, #tpu.memory_space<semaphore_mem>> -> memref<1x!tpu.dma_semaphore, #tpu.memory_space<semaphore_mem>>
          %dma_wait3A_167 = tpu.memref_squeeze %dma_wait3A_166 : memref<1x!tpu.dma_semaphore, #tpu.memory_space<semaphore_mem>> -> memref<!tpu.dma_semaphore, #tpu.memory_space<semaphore_mem>>
          tpu.wait_indirect_dma semaphore(%dma_wait3A_167 : memref<!tpu.dma_semaphore, #tpu.memory_space<semaphore_mem>>) src(%dma_wait3A_159 : memref<128x128xf32, #tpu.memory_space<vmem>>) dst(%dma_wait3A_165 : memref<10240x128xf32, #tpu.memory_space<vmem_shared>>)
        } else {
        }
        %add3A_139 = arith.constant 1 : i32
        %add3A_140 = arith.addi %scan3A_109, %add3A_139 : i32
        %sub3A = arith.constant 1 : i32
        %sub3A_141 = arith.subi %sub3A, %rem3A_110 : i32
        %dma_start3A_142 = arith.constant 0 : i32
        %dma_start3A_143 = arith.constant 0 : i32
        %dma_start3A_144 = tpu.memref_slice %arg10[%sub3A_141, %dma_start3A_142, %dma_start3A_143] : memref<2x128x128xf32, #tpu.memory_space<vmem>> -> memref<1x128x128xf32, #tpu.memory_space<vmem>>
        %dma_start3A_145 = tpu.memref_squeeze %dma_start3A_144 : memref<1x128x128xf32, #tpu.memory_space<vmem>> -> memref<128x128xf32, #tpu.memory_space<vmem>>
        %dma_start3A_146 = arith.constant 0 : i32
        %dma_start3A_147 = tpu.memref_slice %arg11[%add3A_140, %dma_start3A_146] : memref<40x128xi32, #tpu.memory_space<vmem>> -> memref<1x128xi32, #tpu.memory_space<vmem>>
        %dma_start3A_148 = tpu.memref_squeeze %dma_start3A_147 : memref<1x128xi32, #tpu.memory_space<vmem>> -> memref<128xi32, #tpu.memory_space<vmem>>
        %dma_start3A_149 = arith.constant 0 : i32
        %dma_start3A_150 = arith.constant 0 : i32
        %dma_start3A_151 = tpu.memref_slice %arg2[%dma_start3A_149, %dma_start3A_150] : memref<10000x128xf32, #tpu.memory_space<hbm>> -> memref<10000x128xf32, #tpu.memory_space<hbm>>
        tpu.enqueue_indirect_dma source(%dma_start3A_151 : memref<10000x128xf32, #tpu.memory_space<hbm>>) target(%dma_start3A_145 : memref<128x128xf32, #tpu.memory_space<vmem>>) offsets(%dma_start3A_148 : memref<128xi32, #tpu.memory_space<vmem>>) semaphore(%arg9 : memref<!tpu.dma_semaphore, #tpu.memory_space<semaphore_mem>>)
      } else {
      }
      %dma_start3A_123 = arith.constant 0 : i32
      %dma_start3A_124 = arith.constant 0 : i32
      %dma_start3A_125 = tpu.memref_slice %arg10[%rem3A_110, %dma_start3A_123, %dma_start3A_124] : memref<2x128x128xf32, #tpu.memory_space<vmem>> -> memref<1x128x128xf32, #tpu.memory_space<vmem>>
      %dma_start3A_126 = tpu.memref_squeeze %dma_start3A_125 : memref<1x128x128xf32, #tpu.memory_space<vmem>> -> memref<128x128xf32, #tpu.memory_space<vmem>>
      %dma_start3A_127 = arith.constant 0 : i32
      %dma_start3A_128 = tpu.memref_slice %arg8[%scan3A_109, %dma_start3A_127] : memref<40x128xi32, #tpu.memory_space<vmem>> -> memref<1x128xi32, #tpu.memory_space<vmem>>
      %dma_start3A_129 = tpu.memref_squeeze %dma_start3A_128 : memref<1x128xi32, #tpu.memory_space<vmem>> -> memref<128xi32, #tpu.memory_space<vmem>>
      %dma_start3A_130 = arith.constant 0 : i32
      %dma_start3A_131 = arith.constant 0 : i32
      %dma_start3A_132 = tpu.memref_slice %arg7[%dma_start3A_130, %dma_start3A_131] : memref<10240x128xf32, #tpu.memory_space<vmem_shared>> -> memref<10240x128xf32, #tpu.memory_space<vmem_shared>>
      %dma_start3A_133 = tpu.memref_slice %arg12[%rem3A_110] : memref<2x!tpu.dma_semaphore, #tpu.memory_space<semaphore_mem>> -> memref<1x!tpu.dma_semaphore, #tpu.memory_space<semaphore_mem>>
      %dma_start3A_134 = tpu.memref_squeeze %dma_start3A_133 : memref<1x!tpu.dma_semaphore, #tpu.memory_space<semaphore_mem>> -> memref<!tpu.dma_semaphore, #tpu.memory_space<semaphore_mem>>
      tpu.enqueue_indirect_dma source(%dma_start3A_126 : memref<128x128xf32, #tpu.memory_space<vmem>>) target(%dma_start3A_132 : memref<10240x128xf32, #tpu.memory_space<vmem_shared>>) offsets(%dma_start3A_129 : memref<128xi32, #tpu.memory_space<vmem>>) semaphore(%dma_start3A_134 : memref<!tpu.dma_semaphore, #tpu.memory_space<semaphore_mem>>) {add = true}
    }
    %scan3A_24 = arith.constant 40 : i32
    %dma_wait3A = arith.constant 0 : i32
    %dma_wait3A_25 = arith.constant 38 : i32
    %dma_wait3A_26 = arith.constant 0 : i32
    %dma_wait3A_27 = arith.constant 0 : i32
    %dma_wait3A_28 = arith.constant 0 : i32
    %dma_wait3A_29 = tpu.memref_slice %arg10[%dma_wait3A, %dma_wait3A_27, %dma_wait3A_28] : memref<2x128x128xf32, #tpu.memory_space<vmem>> -> memref<1x128x128xf32, #tpu.memory_space<vmem>>
    %dma_wait3A_30 = tpu.memref_squeeze %dma_wait3A_29 : memref<1x128x128xf32, #tpu.memory_space<vmem>> -> memref<128x128xf32, #tpu.memory_space<vmem>>
    %dma_wait3A_31 = arith.constant 0 : i32
    %dma_wait3A_32 = tpu.memref_slice %arg8[%dma_wait3A_25, %dma_wait3A_31] : memref<40x128xi32, #tpu.memory_space<vmem>> -> memref<1x128xi32, #tpu.memory_space<vmem>>
    %dma_wait3A_33 = tpu.memref_squeeze %dma_wait3A_32 : memref<1x128xi32, #tpu.memory_space<vmem>> -> memref<128xi32, #tpu.memory_space<vmem>>
    %dma_wait3A_34 = arith.constant 0 : i32
    %dma_wait3A_35 = arith.constant 0 : i32
    %dma_wait3A_36 = tpu.memref_slice %arg7[%dma_wait3A_34, %dma_wait3A_35] : memref<10240x128xf32, #tpu.memory_space<vmem_shared>> -> memref<10240x128xf32, #tpu.memory_space<vmem_shared>>
    %dma_wait3A_37 = tpu.memref_slice %arg12[%dma_wait3A_26] : memref<2x!tpu.dma_semaphore, #tpu.memory_space<semaphore_mem>> -> memref<1x!tpu.dma_semaphore, #tpu.memory_space<semaphore_mem>>
    %dma_wait3A_38 = tpu.memref_squeeze %dma_wait3A_37 : memref<1x!tpu.dma_semaphore, #tpu.memory_space<semaphore_mem>> -> memref<!tpu.dma_semaphore, #tpu.memory_space<semaphore_mem>>
    tpu.wait_indirect_dma semaphore(%dma_wait3A_38 : memref<!tpu.dma_semaphore, #tpu.memory_space<semaphore_mem>>) src(%dma_wait3A_30 : memref<128x128xf32, #tpu.memory_space<vmem>>) dst(%dma_wait3A_36 : memref<10240x128xf32, #tpu.memory_space<vmem_shared>>)
    %dma_wait3A_39 = arith.constant 1 : i32
    %dma_wait3A_40 = arith.constant 39 : i32
    %dma_wait3A_41 = arith.constant 1 : i32
    %dma_wait3A_42 = arith.constant 0 : i32
    %dma_wait3A_43 = arith.constant 0 : i32
    %dma_wait3A_44 = tpu.memref_slice %arg10[%dma_wait3A_39, %dma_wait3A_42, %dma_wait3A_43] : memref<2x128x128xf32, #tpu.memory_space<vmem>> -> memref<1x128x128xf32, #tpu.memory_space<vmem>>
    %dma_wait3A_45 = tpu.memref_squeeze %dma_wait3A_44 : memref<1x128x128xf32, #tpu.memory_space<vmem>> -> memref<128x128xf32, #tpu.memory_space<vmem>>
    %dma_wait3A_46 = arith.constant 0 : i32
    %dma_wait3A_47 = tpu.memref_slice %arg8[%dma_wait3A_40, %dma_wait3A_46] : memref<40x128xi32, #tpu.memory_space<vmem>> -> memref<1x128xi32, #tpu.memory_space<vmem>>
    %dma_wait3A_48 = tpu.memref_squeeze %dma_wait3A_47 : memref<1x128xi32, #tpu.memory_space<vmem>> -> memref<128xi32, #tpu.memory_space<vmem>>
    %dma_wait3A_49 = arith.constant 0 : i32
    %dma_wait3A_50 = arith.constant 0 : i32
    %dma_wait3A_51 = tpu.memref_slice %arg7[%dma_wait3A_49, %dma_wait3A_50] : memref<10240x128xf32, #tpu.memory_space<vmem_shared>> -> memref<10240x128xf32, #tpu.memory_space<vmem_shared>>
    %dma_wait3A_52 = tpu.memref_slice %arg12[%dma_wait3A_41] : memref<2x!tpu.dma_semaphore, #tpu.memory_space<semaphore_mem>> -> memref<1x!tpu.dma_semaphore, #tpu.memory_space<semaphore_mem>>
    %dma_wait3A_53 = tpu.memref_squeeze %dma_wait3A_52 : memref<1x!tpu.dma_semaphore, #tpu.memory_space<semaphore_mem>> -> memref<!tpu.dma_semaphore, #tpu.memory_space<semaphore_mem>>
    tpu.wait_indirect_dma semaphore(%dma_wait3A_53 : memref<!tpu.dma_semaphore, #tpu.memory_space<semaphore_mem>>) src(%dma_wait3A_45 : memref<128x128xf32, #tpu.memory_space<vmem>>) dst(%dma_wait3A_51 : memref<10240x128xf32, #tpu.memory_space<vmem_shared>>)
    %add3A_54 = arith.constant 40 : i32
    %add3A_55 = arith.addi %select_n3A, %add3A_54 : i32
    "tpu.region"() ({
      %run_scoped3A = tpu.sem_alloc : memref<!tpu.dma_semaphore, #tpu.memory_space<semaphore_mem>>
      %dma_start3A_109 = arith.constant 0 : i32
      %dma_start3A_110 = tpu.memref_slice %arg3[%add3A_55, %dma_start3A_109] : memref<2560x128xi32, #tpu.memory_space<hbm>> -> memref<40x128xi32, #tpu.memory_space<hbm>>
      %dma_start3A_111 = arith.constant 0 : i32
      %dma_start3A_112 = tpu.memref_slice %arg3[%add3A_55, %dma_start3A_111] : memref<2560x128xi32, #tpu.memory_space<hbm>> -> memref<40x128xi32, #tpu.memory_space<hbm>>
      tpu.enqueue_dma source(%dma_start3A_112 : memref<40x128xi32, #tpu.memory_space<hbm>>) target(%arg11 : memref<40x128xi32, #tpu.memory_space<vmem>>) target_semaphore(%run_scoped3A : memref<!tpu.dma_semaphore, #tpu.memory_space<semaphore_mem>>)
      %dma_wait3A_113 = arith.constant 0 : i32
      %dma_wait3A_114 = tpu.memref_slice %arg3[%add3A_55, %dma_wait3A_113] : memref<2560x128xi32, #tpu.memory_space<hbm>> -> memref<40x128xi32, #tpu.memory_space<hbm>>
      %dma_wait3A_115 = arith.constant 0 : i32
      %dma_wait3A_116 = tpu.memref_slice %arg3[%add3A_55, %dma_wait3A_115] : memref<2560x128xi32, #tpu.memory_space<hbm>> -> memref<40x128xi32, #tpu.memory_space<hbm>>
      tpu.wait_dma2 semaphore(%run_scoped3A : memref<!tpu.dma_semaphore, #tpu.memory_space<semaphore_mem>>) src(%dma_wait3A_116 : memref<40x128xi32, #tpu.memory_space<hbm>>) dst(%arg11 : memref<40x128xi32, #tpu.memory_space<vmem>>)
      tpu.yield
    }) : () -> ()
    "tpu.region"() ({
      %run_scoped3A = tpu.sem_alloc : memref<!tpu.dma_semaphore, #tpu.memory_space<semaphore_mem>>
      %dma_start3A_109 = arith.constant 0 : i32
      %dma_start3A_110 = tpu.memref_slice %arg4[%add3A_55, %dma_start3A_109] : memref<2560x128xi32, #tpu.memory_space<hbm>> -> memref<40x128xi32, #tpu.memory_space<hbm>>
      %dma_start3A_111 = arith.constant 0 : i32
      %dma_start3A_112 = tpu.memref_slice %arg4[%add3A_55, %dma_start3A_111] : memref<2560x128xi32, #tpu.memory_space<hbm>> -> memref<40x128xi32, #tpu.memory_space<hbm>>
      tpu.enqueue_dma source(%dma_start3A_112 : memref<40x128xi32, #tpu.memory_space<hbm>>) target(%arg8 : memref<40x128xi32, #tpu.memory_space<vmem>>) target_semaphore(%run_scoped3A : memref<!tpu.dma_semaphore, #tpu.memory_space<semaphore_mem>>)
      %dma_wait3A_113 = arith.constant 0 : i32
      %dma_wait3A_114 = tpu.memref_slice %arg4[%add3A_55, %dma_wait3A_113] : memref<2560x128xi32, #tpu.memory_space<hbm>> -> memref<40x128xi32, #tpu.memory_space<hbm>>
      %dma_wait3A_115 = arith.constant 0 : i32
      %dma_wait3A_116 = tpu.memref_slice %arg4[%add3A_55, %dma_wait3A_115] : memref<2560x128xi32, #tpu.memory_space<hbm>> -> memref<40x128xi32, #tpu.memory_space<hbm>>
      tpu.wait_dma2 semaphore(%run_scoped3A : memref<!tpu.dma_semaphore, #tpu.memory_space<semaphore_mem>>) src(%dma_wait3A_116 : memref<40x128xi32, #tpu.memory_space<hbm>>) dst(%arg8 : memref<40x128xi32, #tpu.memory_space<vmem>>)
      tpu.yield
    }) : () -> ()
    %dma_start3A_56 = arith.constant 0 : i32
    %dma_start3A_57 = arith.constant 0 : i32
    %dma_start3A_58 = arith.constant 0 : i32
    %dma_start3A_59 = arith.constant 0 : i32
    %dma_start3A_60 = tpu.memref_slice %arg10[%dma_start3A_57, %dma_start3A_58, %dma_start3A_59] : memref<2x128x128xf32, #tpu.memory_space<vmem>> -> memref<1x128x128xf32, #tpu.memory_space<vmem>>
    %dma_start3A_61 = tpu.memref_squeeze %dma_start3A_60 : memref<1x128x128xf32, #tpu.memory_space<vmem>> -> memref<128x128xf32, #tpu.memory_space<vmem>>
    %dma_start3A_62 = arith.constant 0 : i32
    %dma_start3A_63 = tpu.memref_slice %arg11[%dma_start3A_56, %dma_start3A_62] : memref<40x128xi32, #tpu.memory_space<vmem>> -> memref<1x128xi32, #tpu.memory_space<vmem>>
    %dma_start3A_64 = tpu.memref_squeeze %dma_start3A_63 : memref<1x128xi32, #tpu.memory_space<vmem>> -> memref<128xi32, #tpu.memory_space<vmem>>
    %dma_start3A_65 = arith.constant 0 : i32
    %dma_start3A_66 = arith.constant 0 : i32
    %dma_start3A_67 = tpu.memref_slice %arg2[%dma_start3A_65, %dma_start3A_66] : memref<10000x128xf32, #tpu.memory_space<hbm>> -> memref<10000x128xf32, #tpu.memory_space<hbm>>
    tpu.enqueue_indirect_dma source(%dma_start3A_67 : memref<10000x128xf32, #tpu.memory_space<hbm>>) target(%dma_start3A_61 : memref<128x128xf32, #tpu.memory_space<vmem>>) offsets(%dma_start3A_64 : memref<128xi32, #tpu.memory_space<vmem>>) semaphore(%arg9 : memref<!tpu.dma_semaphore, #tpu.memory_space<semaphore_mem>>)
    %scan3A_68 = arith.constant 0 : i32
    %scan3A_69 = arith.constant 0 : i32
    %scan3A_70 = arith.constant 40 : i32
    %scan3A_71 = arith.addi %scan3A_69, %scan3A_70 : i32
    %scan3A_72 = arith.constant 1 : i32
    scf.for %scan3A_109 = %scan3A_69 to %scan3A_71 step %scan3A_72  : i32 {
      %rem3A = arith.constant 2 : i32
      %rem3A_110 = arith.remsi %scan3A_109, %rem3A : i32
      %dma_wait3A_111 = arith.constant 0 : i32
      %dma_wait3A_112 = arith.constant 0 : i32
      %dma_wait3A_113 = tpu.memref_slice %arg10[%rem3A_110, %dma_wait3A_111, %dma_wait3A_112] : memref<2x128x128xf32, #tpu.memory_space<vmem>> -> memref<1x128x128xf32, #tpu.memory_space<vmem>>
      %dma_wait3A_114 = tpu.memref_squeeze %dma_wait3A_113 : memref<1x128x128xf32, #tpu.memory_space<vmem>> -> memref<128x128xf32, #tpu.memory_space<vmem>>
      %dma_wait3A_115 = arith.constant 0 : i32
      %dma_wait3A_116 = tpu.memref_slice %arg11[%scan3A_109, %dma_wait3A_115] : memref<40x128xi32, #tpu.memory_space<vmem>> -> memref<1x128xi32, #tpu.memory_space<vmem>>
      %dma_wait3A_117 = tpu.memref_squeeze %dma_wait3A_116 : memref<1x128xi32, #tpu.memory_space<vmem>> -> memref<128xi32, #tpu.memory_space<vmem>>
      %dma_wait3A_118 = arith.constant 0 : i32
      %dma_wait3A_119 = arith.constant 0 : i32
      %dma_wait3A_120 = tpu.memref_slice %arg2[%dma_wait3A_118, %dma_wait3A_119] : memref<10000x128xf32, #tpu.memory_space<hbm>> -> memref<10000x128xf32, #tpu.memory_space<hbm>>
      tpu.wait_indirect_dma semaphore(%arg9 : memref<!tpu.dma_semaphore, #tpu.memory_space<semaphore_mem>>) src(%dma_wait3A_120 : memref<10000x128xf32, #tpu.memory_space<hbm>>) dst(%dma_wait3A_114 : memref<128x128xf32, #tpu.memory_space<vmem>>)
      %lt3A = arith.constant 39 : i32
      %lt3A_121 = arith.cmpi slt, %scan3A_109, %lt3A : i32
      %convert_element_type3A = arith.extui %lt3A_121 : i1 to i32
      %cond3A = arith.constant 0 : i32
      %cond3A_122 = arith.cmpi ne, %convert_element_type3A, %cond3A : i32
      scf.if %cond3A_122 {
        %ge3A = arith.constant 1 : i32
        %ge3A_135 = arith.cmpi sge, %scan3A_109, %ge3A : i32
        %convert_element_type3A_136 = arith.extui %ge3A_135 : i1 to i32
        %cond3A_137 = arith.constant 0 : i32
        %cond3A_138 = arith.cmpi ne, %convert_element_type3A_136, %cond3A_137 : i32
        scf.if %cond3A_138 {
          %sub3A_152 = arith.constant 1 : i32
          %sub3A_153 = arith.subi %scan3A_109, %sub3A_152 : i32
          %sub3A_154 = arith.constant 1 : i32
          %sub3A_155 = arith.subi %sub3A_154, %rem3A_110 : i32
          %dma_wait3A_156 = arith.constant 0 : i32
          %dma_wait3A_157 = arith.constant 0 : i32
          %dma_wait3A_158 = tpu.memref_slice %arg10[%sub3A_155, %dma_wait3A_156, %dma_wait3A_157] : memref<2x128x128xf32, #tpu.memory_space<vmem>> -> memref<1x128x128xf32, #tpu.memory_space<vmem>>
          %dma_wait3A_159 = tpu.memref_squeeze %dma_wait3A_158 : memref<1x128x128xf32, #tpu.memory_space<vmem>> -> memref<128x128xf32, #tpu.memory_space<vmem>>
          %dma_wait3A_160 = arith.constant 0 : i32
          %dma_wait3A_161 = tpu.memref_slice %arg8[%sub3A_153, %dma_wait3A_160] : memref<40x128xi32, #tpu.memory_space<vmem>> -> memref<1x128xi32, #tpu.memory_space<vmem>>
          %dma_wait3A_162 = tpu.memref_squeeze %dma_wait3A_161 : memref<1x128xi32, #tpu.memory_space<vmem>> -> memref<128xi32, #tpu.memory_space<vmem>>
          %dma_wait3A_163 = arith.constant 0 : i32
          %dma_wait3A_164 = arith.constant 0 : i32
          %dma_wait3A_165 = tpu.memref_slice %arg7[%dma_wait3A_163, %dma_wait3A_164] : memref<10240x128xf32, #tpu.memory_space<vmem_shared>> -> memref<10240x128xf32, #tpu.memory_space<vmem_shared>>
          %dma_wait3A_166 = tpu.memref_slice %arg12[%sub3A_155] : memref<2x!tpu.dma_semaphore, #tpu.memory_space<semaphore_mem>> -> memref<1x!tpu.dma_semaphore, #tpu.memory_space<semaphore_mem>>
          %dma_wait3A_167 = tpu.memref_squeeze %dma_wait3A_166 : memref<1x!tpu.dma_semaphore, #tpu.memory_space<semaphore_mem>> -> memref<!tpu.dma_semaphore, #tpu.memory_space<semaphore_mem>>
          tpu.wait_indirect_dma semaphore(%dma_wait3A_167 : memref<!tpu.dma_semaphore, #tpu.memory_space<semaphore_mem>>) src(%dma_wait3A_159 : memref<128x128xf32, #tpu.memory_space<vmem>>) dst(%dma_wait3A_165 : memref<10240x128xf32, #tpu.memory_space<vmem_shared>>)
        } else {
        }
        %add3A_139 = arith.constant 1 : i32
        %add3A_140 = arith.addi %scan3A_109, %add3A_139 : i32
        %sub3A = arith.constant 1 : i32
        %sub3A_141 = arith.subi %sub3A, %rem3A_110 : i32
        %dma_start3A_142 = arith.constant 0 : i32
        %dma_start3A_143 = arith.constant 0 : i32
        %dma_start3A_144 = tpu.memref_slice %arg10[%sub3A_141, %dma_start3A_142, %dma_start3A_143] : memref<2x128x128xf32, #tpu.memory_space<vmem>> -> memref<1x128x128xf32, #tpu.memory_space<vmem>>
        %dma_start3A_145 = tpu.memref_squeeze %dma_start3A_144 : memref<1x128x128xf32, #tpu.memory_space<vmem>> -> memref<128x128xf32, #tpu.memory_space<vmem>>
        %dma_start3A_146 = arith.constant 0 : i32
        %dma_start3A_147 = tpu.memref_slice %arg11[%add3A_140, %dma_start3A_146] : memref<40x128xi32, #tpu.memory_space<vmem>> -> memref<1x128xi32, #tpu.memory_space<vmem>>
        %dma_start3A_148 = tpu.memref_squeeze %dma_start3A_147 : memref<1x128xi32, #tpu.memory_space<vmem>> -> memref<128xi32, #tpu.memory_space<vmem>>
        %dma_start3A_149 = arith.constant 0 : i32
        %dma_start3A_150 = arith.constant 0 : i32
        %dma_start3A_151 = tpu.memref_slice %arg2[%dma_start3A_149, %dma_start3A_150] : memref<10000x128xf32, #tpu.memory_space<hbm>> -> memref<10000x128xf32, #tpu.memory_space<hbm>>
        tpu.enqueue_indirect_dma source(%dma_start3A_151 : memref<10000x128xf32, #tpu.memory_space<hbm>>) target(%dma_start3A_145 : memref<128x128xf32, #tpu.memory_space<vmem>>) offsets(%dma_start3A_148 : memref<128xi32, #tpu.memory_space<vmem>>) semaphore(%arg9 : memref<!tpu.dma_semaphore, #tpu.memory_space<semaphore_mem>>)
      } else {
      }
      %dma_start3A_123 = arith.constant 0 : i32
      %dma_start3A_124 = arith.constant 0 : i32
      %dma_start3A_125 = tpu.memref_slice %arg10[%rem3A_110, %dma_start3A_123, %dma_start3A_124] : memref<2x128x128xf32, #tpu.memory_space<vmem>> -> memref<1x128x128xf32, #tpu.memory_space<vmem>>
      %dma_start3A_126 = tpu.memref_squeeze %dma_start3A_125 : memref<1x128x128xf32, #tpu.memory_space<vmem>> -> memref<128x128xf32, #tpu.memory_space<vmem>>
      %dma_start3A_127 = arith.constant 0 : i32
      %dma_start3A_128 = tpu.memref_slice %arg8[%scan3A_109, %dma_start3A_127] : memref<40x128xi32, #tpu.memory_space<vmem>> -> memref<1x128xi32, #tpu.memory_space<vmem>>
      %dma_start3A_129 = tpu.memref_squeeze %dma_start3A_128 : memref<1x128xi32, #tpu.memory_space<vmem>> -> memref<128xi32, #tpu.memory_space<vmem>>
      %dma_start3A_130 = arith.constant 0 : i32
      %dma_start3A_131 = arith.constant 0 : i32
      %dma_start3A_132 = tpu.memref_slice %arg7[%dma_start3A_130, %dma_start3A_131] : memref<10240x128xf32, #tpu.memory_space<vmem_shared>> -> memref<10240x128xf32, #tpu.memory_space<vmem_shared>>
      %dma_start3A_133 = tpu.memref_slice %arg12[%rem3A_110] : memref<2x!tpu.dma_semaphore, #tpu.memory_space<semaphore_mem>> -> memref<1x!tpu.dma_semaphore, #tpu.memory_space<semaphore_mem>>
      %dma_start3A_134 = tpu.memref_squeeze %dma_start3A_133 : memref<1x!tpu.dma_semaphore, #tpu.memory_space<semaphore_mem>> -> memref<!tpu.dma_semaphore, #tpu.memory_space<semaphore_mem>>
      tpu.enqueue_indirect_dma source(%dma_start3A_126 : memref<128x128xf32, #tpu.memory_space<vmem>>) target(%dma_start3A_132 : memref<10240x128xf32, #tpu.memory_space<vmem_shared>>) offsets(%dma_start3A_129 : memref<128xi32, #tpu.memory_space<vmem>>) semaphore(%dma_start3A_134 : memref<!tpu.dma_semaphore, #tpu.memory_space<semaphore_mem>>) {add = true}
    }
    %scan3A_73 = arith.constant 40 : i32
    %dma_wait3A_74 = arith.constant 0 : i32
    %dma_wait3A_75 = arith.constant 38 : i32
    %dma_wait3A_76 = arith.constant 0 : i32
    %dma_wait3A_77 = arith.constant 0 : i32
    %dma_wait3A_78 = arith.constant 0 : i32
    %dma_wait3A_79 = tpu.memref_slice %arg10[%dma_wait3A_74, %dma_wait3A_77, %dma_wait3A_78] : memref<2x128x128xf32, #tpu.memory_space<vmem>> -> memref<1x128x128xf32, #tpu.memory_space<vmem>>
    %dma_wait3A_80 = tpu.memref_squeeze %dma_wait3A_79 : memref<1x128x128xf32, #tpu.memory_space<vmem>> -> memref<128x128xf32, #tpu.memory_space<vmem>>
    %dma_wait3A_81 = arith.constant 0 : i32
    %dma_wait3A_82 = tpu.memref_slice %arg8[%dma_wait3A_75, %dma_wait3A_81] : memref<40x128xi32, #tpu.memory_space<vmem>> -> memref<1x128xi32, #tpu.memory_space<vmem>>
    %dma_wait3A_83 = tpu.memref_squeeze %dma_wait3A_82 : memref<1x128xi32, #tpu.memory_space<vmem>> -> memref<128xi32, #tpu.memory_space<vmem>>
    %dma_wait3A_84 = arith.constant 0 : i32
    %dma_wait3A_85 = arith.constant 0 : i32
    %dma_wait3A_86 = tpu.memref_slice %arg7[%dma_wait3A_84, %dma_wait3A_85] : memref<10240x128xf32, #tpu.memory_space<vmem_shared>> -> memref<10240x128xf32, #tpu.memory_space<vmem_shared>>
    %dma_wait3A_87 = tpu.memref_slice %arg12[%dma_wait3A_76] : memref<2x!tpu.dma_semaphore, #tpu.memory_space<semaphore_mem>> -> memref<1x!tpu.dma_semaphore, #tpu.memory_space<semaphore_mem>>
    %dma_wait3A_88 = tpu.memref_squeeze %dma_wait3A_87 : memref<1x!tpu.dma_semaphore, #tpu.memory_space<semaphore_mem>> -> memref<!tpu.dma_semaphore, #tpu.memory_space<semaphore_mem>>
    tpu.wait_indirect_dma semaphore(%dma_wait3A_88 : memref<!tpu.dma_semaphore, #tpu.memory_space<semaphore_mem>>) src(%dma_wait3A_80 : memref<128x128xf32, #tpu.memory_space<vmem>>) dst(%dma_wait3A_86 : memref<10240x128xf32, #tpu.memory_space<vmem_shared>>)
    %dma_wait3A_89 = arith.constant 1 : i32
    %dma_wait3A_90 = arith.constant 39 : i32
    %dma_wait3A_91 = arith.constant 1 : i32
    %dma_wait3A_92 = arith.constant 0 : i32
    %dma_wait3A_93 = arith.constant 0 : i32
    %dma_wait3A_94 = tpu.memref_slice %arg10[%dma_wait3A_89, %dma_wait3A_92, %dma_wait3A_93] : memref<2x128x128xf32, #tpu.memory_space<vmem>> -> memref<1x128x128xf32, #tpu.memory_space<vmem>>
    %dma_wait3A_95 = tpu.memref_squeeze %dma_wait3A_94 : memref<1x128x128xf32, #tpu.memory_space<vmem>> -> memref<128x128xf32, #tpu.memory_space<vmem>>
    %dma_wait3A_96 = arith.constant 0 : i32
    %dma_wait3A_97 = tpu.memref_slice %arg8[%dma_wait3A_90, %dma_wait3A_96] : memref<40x128xi32, #tpu.memory_space<vmem>> -> memref<1x128xi32, #tpu.memory_space<vmem>>
    %dma_wait3A_98 = tpu.memref_squeeze %dma_wait3A_97 : memref<1x128xi32, #tpu.memory_space<vmem>> -> memref<128xi32, #tpu.memory_space<vmem>>
    %dma_wait3A_99 = arith.constant 0 : i32
    %dma_wait3A_100 = arith.constant 0 : i32
    %dma_wait3A_101 = tpu.memref_slice %arg7[%dma_wait3A_99, %dma_wait3A_100] : memref<10240x128xf32, #tpu.memory_space<vmem_shared>> -> memref<10240x128xf32, #tpu.memory_space<vmem_shared>>
    %dma_wait3A_102 = tpu.memref_slice %arg12[%dma_wait3A_91] : memref<2x!tpu.dma_semaphore, #tpu.memory_space<semaphore_mem>> -> memref<1x!tpu.dma_semaphore, #tpu.memory_space<semaphore_mem>>
    %dma_wait3A_103 = tpu.memref_squeeze %dma_wait3A_102 : memref<1x!tpu.dma_semaphore, #tpu.memory_space<semaphore_mem>> -> memref<!tpu.dma_semaphore, #tpu.memory_space<semaphore_mem>>
    tpu.wait_indirect_dma semaphore(%dma_wait3A_103 : memref<!tpu.dma_semaphore, #tpu.memory_space<semaphore_mem>>) src(%dma_wait3A_95 : memref<128x128xf32, #tpu.memory_space<vmem>>) dst(%dma_wait3A_101 : memref<10240x128xf32, #tpu.memory_space<vmem_shared>>)
    %barrier3A_104 = arith.constant 0 : index
    tpu.barrier barrier_id(%barrier3A_104)
    %mul3A_105 = arith.constant 640 : i32
    %mul3A_106 = arith.muli %mul3A_105, %arg1 : i32
    %mul3A_107 = arith.constant 640 : i32
    %mul3A_108 = arith.muli %mul3A_107, %arg1 : i32
    "tpu.region"() ({
      %run_scoped3A = tpu.sem_alloc : memref<!tpu.dma_semaphore, #tpu.memory_space<semaphore_mem>>
      %dma_start3A_109 = arith.constant 0 : i32
      %dma_start3A_110 = tpu.memref_slice %arg6[%arg0, %mul3A_108, %dma_start3A_109] : memref<2x10240x128xf32, #tpu.memory_space<hbm>> -> memref<1x640x128xf32, #tpu.memory_space<hbm>>
      %dma_start3A_111 = tpu.memref_squeeze %dma_start3A_110 : memref<1x640x128xf32, #tpu.memory_space<hbm>> -> memref<640x128xf32, #tpu.memory_space<hbm>>
      %dma_start3A_112 = arith.constant 0 : i32
      %dma_start3A_113 = tpu.memref_slice %arg7[%mul3A_106, %dma_start3A_112] : memref<10240x128xf32, #tpu.memory_space<vmem_shared>> -> memref<640x128xf32, #tpu.memory_space<vmem_shared>>
      tpu.enqueue_dma source(%dma_start3A_113 : memref<640x128xf32, #tpu.memory_space<vmem_shared>>) target(%dma_start3A_111 : memref<640x128xf32, #tpu.memory_space<hbm>>) target_semaphore(%run_scoped3A : memref<!tpu.dma_semaphore, #tpu.memory_space<semaphore_mem>>)
      %dma_wait3A_114 = arith.constant 0 : i32
      %dma_wait3A_115 = tpu.memref_slice %arg6[%arg0, %mul3A_108, %dma_wait3A_114] : memref<2x10240x128xf32, #tpu.memory_space<hbm>> -> memref<1x640x128xf32, #tpu.memory_space<hbm>>
      %dma_wait3A_116 = tpu.memref_squeeze %dma_wait3A_115 : memref<1x640x128xf32, #tpu.memory_space<hbm>> -> memref<640x128xf32, #tpu.memory_space<hbm>>
      %dma_wait3A_117 = arith.constant 0 : i32
      %dma_wait3A_118 = tpu.memref_slice %arg7[%mul3A_106, %dma_wait3A_117] : memref<10240x128xf32, #tpu.memory_space<vmem_shared>> -> memref<640x128xf32, #tpu.memory_space<vmem_shared>>
      tpu.wait_dma2 semaphore(%run_scoped3A : memref<!tpu.dma_semaphore, #tpu.memory_space<semaphore_mem>>) src(%dma_wait3A_118 : memref<640x128xf32, #tpu.memory_space<vmem_shared>>) dst(%dma_wait3A_116 : memref<640x128xf32, #tpu.memory_space<hbm>>)
      tpu.yield
    }) : () -> ()
    return
  }
}

#map = affine_map<(d0, d1) -> (0, 0)>
#map1 = affine_map<(d0, d1) -> (0, 0, 0)>
module attributes {stable_mosaic.version = 14 : i64} {
  func.func @body(%arg0: i32, %arg1: i32, %arg2: memref<10000x128xf32, #tpu.memory_space<hbm>>, %arg3: memref<2560x128xi32, #tpu.memory_space<hbm>>, %arg4: memref<2560x128xi32, #tpu.memory_space<hbm>>, %arg5: memref<640x128xf32, #tpu.memory_space<hbm>>, %arg6: memref<2x10240x128xf32, #tpu.memory_space<hbm>>, %arg7: memref<10240x128xf32, #tpu.memory_space<vmem_shared>>, %arg8: memref<40x128xi32, #tpu.memory_space<vmem>>, %arg9: memref<!tpu.dma_semaphore, #tpu.memory_space<semaphore_mem>>, %arg10: memref<2x128x128xf32, #tpu.memory_space<vmem>>, %arg11: memref<40x128xi32, #tpu.memory_space<vmem>>, %arg12: memref<2x!tpu.dma_semaphore, #tpu.memory_space<semaphore_mem>>) attributes {dimension_semantics = [#tpu.dimension_semantics<core_parallel>, #tpu.dimension_semantics<subcore_parallel>], iteration_bounds = array<i64: 2, 16>, scalar_prefetch = 0 : i64, scratch_operands = 6 : i64, tpu.core_type = #tpu.core_type<sc_vector_subcore>, window_params = [{transform_indices = #map}, {transform_indices = #map}, {transform_indices = #map}, {transform_indices = #map}, {transform_indices = #map1}]} {
    %mul3A = arith.constant 640 : i32
    %mul3A_0 = arith.muli %mul3A, %arg1 : i32
    "tpu.region"() ({
      %run_scoped3A = tpu.sem_alloc : memref<!tpu.dma_semaphore, #tpu.memory_space<semaphore_mem>>
      %dma_start3A_109 = arith.constant 0 : i32
      %dma_start3A_110 = tpu.memref_slice %arg7[%mul3A_0, %dma_start3A_109] : memref<10240x128xf32, #tpu.memory_space<vmem_shared>> -> memref<640x128xf32, #tpu.memory_space<vmem_shared>>
      tpu.enqueue_dma source(%arg5 : memref<640x128xf32, #tpu.memory_space<hbm>>) target(%dma_start3A_110 : memref<640x128xf32, #tpu.memory_space<vmem_shared>>) target_semaphore(%run_scoped3A : memref<!tpu.dma_semaphore, #tpu.memory_space<semaphore_mem>>)
      %dma_wait3A_111 = arith.constant 0 : i32
      %dma_wait3A_112 = tpu.memref_slice %arg7[%mul3A_0, %dma_wait3A_111] : memref<10240x128xf32, #tpu.memory_space<vmem_shared>> -> memref<640x128xf32, #tpu.memory_space<vmem_shared>>
      tpu.wait_dma2 semaphore(%run_scoped3A : memref<!tpu.dma_semaphore, #tpu.memory_space<semaphore_mem>>) src(%arg5 : memref<640x128xf32, #tpu.memory_space<hbm>>) dst(%dma_wait3A_112 : memref<640x128xf32, #tpu.memory_space<vmem_shared>>)
      tpu.yield
    }) : () -> ()
    %barrier3A = arith.constant 0 : index
    tpu.barrier barrier_id(%barrier3A)
    %eq3A = arith.constant 1 : i32
    %eq3A_1 = arith.cmpi eq, %arg0, %eq3A : i32
    %mul3A_2 = arith.constant 80 : i32
    %mul3A_3 = arith.muli %arg1, %mul3A_2 : i32
    %mul3A_4 = arith.constant 80 : i32
    %mul3A_5 = arith.muli %arg1, %mul3A_4 : i32
    %add3A = arith.constant 1280 : i32
    %add3A_6 = arith.addi %add3A, %mul3A_5 : i32
    %select_n3A = arith.select %eq3A_1, %mul3A_3, %add3A_6 : i32
    %add3A_7 = arith.constant 0 : i32
    %add3A_8 = arith.addi %select_n3A, %add3A_7 : i32
    "tpu.region"() ({
      %run_scoped3A = tpu.sem_alloc : memref<!tpu.dma_semaphore, #tpu.memory_space<semaphore_mem>>
      %dma_start3A_109 = arith.constant 0 : i32
      %dma_start3A_110 = tpu.memref_slice %arg3[%add3A_8, %dma_start3A_109] : memref<2560x128xi32, #tpu.memory_space<hbm>> -> memref<40x128xi32, #tpu.memory_space<hbm>>
      %dma_start3A_111 = arith.constant 0 : i32
      %dma_start3A_112 = tpu.memref_slice %arg3[%add3A_8, %dma_start3A_111] : memref<2560x128xi32, #tpu.memory_space<hbm>> -> memref<40x128xi32, #tpu.memory_space<hbm>>
      tpu.enqueue_dma source(%dma_start3A_112 : memref<40x128xi32, #tpu.memory_space<hbm>>) target(%arg11 : memref<40x128xi32, #tpu.memory_space<vmem>>) target_semaphore(%run_scoped3A : memref<!tpu.dma_semaphore, #tpu.memory_space<semaphore_mem>>)
      %dma_wait3A_113 = arith.constant 0 : i32
      %dma_wait3A_114 = tpu.memref_slice %arg3[%add3A_8, %dma_wait3A_113] : memref<2560x128xi32, #tpu.memory_space<hbm>> -> memref<40x128xi32, #tpu.memory_space<hbm>>
      %dma_wait3A_115 = arith.constant 0 : i32
      %dma_wait3A_116 = tpu.memref_slice %arg3[%add3A_8, %dma_wait3A_115] : memref<2560x128xi32, #tpu.memory_space<hbm>> -> memref<40x128xi32, #tpu.memory_space<hbm>>
      tpu.wait_dma2 semaphore(%run_scoped3A : memref<!tpu.dma_semaphore, #tpu.memory_space<semaphore_mem>>) src(%dma_wait3A_116 : memref<40x128xi32, #tpu.memory_space<hbm>>) dst(%arg11 : memref<40x128xi32, #tpu.memory_space<vmem>>)
      tpu.yield
    }) : () -> ()
    "tpu.region"() ({
      %run_scoped3A = tpu.sem_alloc : memref<!tpu.dma_semaphore, #tpu.memory_space<semaphore_mem>>
      %dma_start3A_109 = arith.constant 0 : i32
      %dma_start3A_110 = tpu.memref_slice %arg4[%add3A_8, %dma_start3A_109] : memref<2560x128xi32, #tpu.memory_space<hbm>> -> memref<40x128xi32, #tpu.memory_space<hbm>>
      %dma_start3A_111 = arith.constant 0 : i32
      %dma_start3A_112 = tpu.memref_slice %arg4[%add3A_8, %dma_start3A_111] : memref<2560x128xi32, #tpu.memory_space<hbm>> -> memref<40x128xi32, #tpu.memory_space<hbm>>
      tpu.enqueue_dma source(%dma_start3A_112 : memref<40x128xi32, #tpu.memory_space<hbm>>) target(%arg8 : memref<40x128xi32, #tpu.memory_space<vmem>>) target_semaphore(%run_scoped3A : memref<!tpu.dma_semaphore, #tpu.memory_space<semaphore_mem>>)
      %dma_wait3A_113 = arith.constant 0 : i32
      %dma_wait3A_114 = tpu.memref_slice %arg4[%add3A_8, %dma_wait3A_113] : memref<2560x128xi32, #tpu.memory_space<hbm>> -> memref<40x128xi32, #tpu.memory_space<hbm>>
      %dma_wait3A_115 = arith.constant 0 : i32
      %dma_wait3A_116 = tpu.memref_slice %arg4[%add3A_8, %dma_wait3A_115] : memref<2560x128xi32, #tpu.memory_space<hbm>> -> memref<40x128xi32, #tpu.memory_space<hbm>>
      tpu.wait_dma2 semaphore(%run_scoped3A : memref<!tpu.dma_semaphore, #tpu.memory_space<semaphore_mem>>) src(%dma_wait3A_116 : memref<40x128xi32, #tpu.memory_space<hbm>>) dst(%arg8 : memref<40x128xi32, #tpu.memory_space<vmem>>)
      tpu.yield
    }) : () -> ()
    %dma_start3A = arith.constant 0 : i32
    %dma_start3A_9 = arith.constant 0 : i32
    %dma_start3A_10 = arith.constant 0 : i32
    %dma_start3A_11 = arith.constant 0 : i32
    %dma_start3A_12 = tpu.memref_slice %arg10[%dma_start3A_9, %dma_start3A_10, %dma_start3A_11] : memref<2x128x128xf32, #tpu.memory_space<vmem>> -> memref<1x128x128xf32, #tpu.memory_space<vmem>>
    %dma_start3A_13 = tpu.memref_squeeze %dma_start3A_12 : memref<1x128x128xf32, #tpu.memory_space<vmem>> -> memref<128x128xf32, #tpu.memory_space<vmem>>
    %dma_start3A_14 = arith.constant 0 : i32
    %dma_start3A_15 = tpu.memref_slice %arg11[%dma_start3A, %dma_start3A_14] : memref<40x128xi32, #tpu.memory_space<vmem>> -> memref<1x128xi32, #tpu.memory_space<vmem>>
    %dma_start3A_16 = tpu.memref_squeeze %dma_start3A_15 : memref<1x128xi32, #tpu.memory_space<vmem>> -> memref<128xi32, #tpu.memory_space<vmem>>
    %dma_start3A_17 = arith.constant 0 : i32
    %dma_start3A_18 = arith.constant 0 : i32
    %dma_start3A_19 = tpu.memref_slice %arg2[%dma_start3A_17, %dma_start3A_18] : memref<10000x128xf32, #tpu.memory_space<hbm>> -> memref<10000x128xf32, #tpu.memory_space<hbm>>
    tpu.enqueue_indirect_dma source(%dma_start3A_19 : memref<10000x128xf32, #tpu.memory_space<hbm>>) target(%dma_start3A_13 : memref<128x128xf32, #tpu.memory_space<vmem>>) offsets(%dma_start3A_16 : memref<128xi32, #tpu.memory_space<vmem>>) semaphore(%arg9 : memref<!tpu.dma_semaphore, #tpu.memory_space<semaphore_mem>>)
    %scan3A = arith.constant 0 : i32
    %scan3A_20 = arith.constant 0 : i32
    %scan3A_21 = arith.constant 40 : i32
    %scan3A_22 = arith.addi %scan3A_20, %scan3A_21 : i32
    %scan3A_23 = arith.constant 1 : i32
    scf.for %scan3A_109 = %scan3A_20 to %scan3A_22 step %scan3A_23  : i32 {
      %rem3A = arith.constant 2 : i32
      %rem3A_110 = arith.remsi %scan3A_109, %rem3A : i32
      %dma_wait3A_111 = arith.constant 0 : i32
      %dma_wait3A_112 = arith.constant 0 : i32
      %dma_wait3A_113 = tpu.memref_slice %arg10[%rem3A_110, %dma_wait3A_111, %dma_wait3A_112] : memref<2x128x128xf32, #tpu.memory_space<vmem>> -> memref<1x128x128xf32, #tpu.memory_space<vmem>>
      %dma_wait3A_114 = tpu.memref_squeeze %dma_wait3A_113 : memref<1x128x128xf32, #tpu.memory_space<vmem>> -> memref<128x128xf32, #tpu.memory_space<vmem>>
      %dma_wait3A_115 = arith.constant 0 : i32
      %dma_wait3A_116 = tpu.memref_slice %arg11[%scan3A_109, %dma_wait3A_115] : memref<40x128xi32, #tpu.memory_space<vmem>> -> memref<1x128xi32, #tpu.memory_space<vmem>>
      %dma_wait3A_117 = tpu.memref_squeeze %dma_wait3A_116 : memref<1x128xi32, #tpu.memory_space<vmem>> -> memref<128xi32, #tpu.memory_space<vmem>>
      %dma_wait3A_118 = arith.constant 0 : i32
      %dma_wait3A_119 = arith.constant 0 : i32
      %dma_wait3A_120 = tpu.memref_slice %arg2[%dma_wait3A_118, %dma_wait3A_119] : memref<10000x128xf32, #tpu.memory_space<hbm>> -> memref<10000x128xf32, #tpu.memory_space<hbm>>
      tpu.wait_indirect_dma semaphore(%arg9 : memref<!tpu.dma_semaphore, #tpu.memory_space<semaphore_mem>>) src(%dma_wait3A_120 : memref<10000x128xf32, #tpu.memory_space<hbm>>) dst(%dma_wait3A_114 : memref<128x128xf32, #tpu.memory_space<vmem>>)
      %lt3A = arith.constant 39 : i32
      %lt3A_121 = arith.cmpi slt, %scan3A_109, %lt3A : i32
      %convert_element_type3A = arith.extui %lt3A_121 : i1 to i32
      %cond3A = arith.constant 0 : i32
      %cond3A_122 = arith.cmpi ne, %convert_element_type3A, %cond3A : i32
      scf.if %cond3A_122 {
        %ge3A = arith.constant 1 : i32
        %ge3A_135 = arith.cmpi sge, %scan3A_109, %ge3A : i32
        %convert_element_type3A_136 = arith.extui %ge3A_135 : i1 to i32
        %cond3A_137 = arith.constant 0 : i32
        %cond3A_138 = arith.cmpi ne, %convert_element_type3A_136, %cond3A_137 : i32
        scf.if %cond3A_138 {
          %sub3A_152 = arith.constant 1 : i32
          %sub3A_153 = arith.subi %scan3A_109, %sub3A_152 : i32
          %sub3A_154 = arith.constant 1 : i32
          %sub3A_155 = arith.subi %sub3A_154, %rem3A_110 : i32
          %dma_wait3A_156 = arith.constant 0 : i32
          %dma_wait3A_157 = arith.constant 0 : i32
          %dma_wait3A_158 = tpu.memref_slice %arg10[%sub3A_155, %dma_wait3A_156, %dma_wait3A_157] : memref<2x128x128xf32, #tpu.memory_space<vmem>> -> memref<1x128x128xf32, #tpu.memory_space<vmem>>
          %dma_wait3A_159 = tpu.memref_squeeze %dma_wait3A_158 : memref<1x128x128xf32, #tpu.memory_space<vmem>> -> memref<128x128xf32, #tpu.memory_space<vmem>>
          %dma_wait3A_160 = arith.constant 0 : i32
          %dma_wait3A_161 = tpu.memref_slice %arg8[%sub3A_153, %dma_wait3A_160] : memref<40x128xi32, #tpu.memory_space<vmem>> -> memref<1x128xi32, #tpu.memory_space<vmem>>
          %dma_wait3A_162 = tpu.memref_squeeze %dma_wait3A_161 : memref<1x128xi32, #tpu.memory_space<vmem>> -> memref<128xi32, #tpu.memory_space<vmem>>
          %dma_wait3A_163 = arith.constant 0 : i32
          %dma_wait3A_164 = arith.constant 0 : i32
          %dma_wait3A_165 = tpu.memref_slice %arg7[%dma_wait3A_163, %dma_wait3A_164] : memref<10240x128xf32, #tpu.memory_space<vmem_shared>> -> memref<10240x128xf32, #tpu.memory_space<vmem_shared>>
          %dma_wait3A_166 = tpu.memref_slice %arg12[%sub3A_155] : memref<2x!tpu.dma_semaphore, #tpu.memory_space<semaphore_mem>> -> memref<1x!tpu.dma_semaphore, #tpu.memory_space<semaphore_mem>>
          %dma_wait3A_167 = tpu.memref_squeeze %dma_wait3A_166 : memref<1x!tpu.dma_semaphore, #tpu.memory_space<semaphore_mem>> -> memref<!tpu.dma_semaphore, #tpu.memory_space<semaphore_mem>>
          tpu.wait_indirect_dma semaphore(%dma_wait3A_167 : memref<!tpu.dma_semaphore, #tpu.memory_space<semaphore_mem>>) src(%dma_wait3A_159 : memref<128x128xf32, #tpu.memory_space<vmem>>) dst(%dma_wait3A_165 : memref<10240x128xf32, #tpu.memory_space<vmem_shared>>)
        } else {
        }
        %add3A_139 = arith.constant 1 : i32
        %add3A_140 = arith.addi %scan3A_109, %add3A_139 : i32
        %sub3A = arith.constant 1 : i32
        %sub3A_141 = arith.subi %sub3A, %rem3A_110 : i32
        %dma_start3A_142 = arith.constant 0 : i32
        %dma_start3A_143 = arith.constant 0 : i32
        %dma_start3A_144 = tpu.memref_slice %arg10[%sub3A_141, %dma_start3A_142, %dma_start3A_143] : memref<2x128x128xf32, #tpu.memory_space<vmem>> -> memref<1x128x128xf32, #tpu.memory_space<vmem>>
        %dma_start3A_145 = tpu.memref_squeeze %dma_start3A_144 : memref<1x128x128xf32, #tpu.memory_space<vmem>> -> memref<128x128xf32, #tpu.memory_space<vmem>>
        %dma_start3A_146 = arith.constant 0 : i32
        %dma_start3A_147 = tpu.memref_slice %arg11[%add3A_140, %dma_start3A_146] : memref<40x128xi32, #tpu.memory_space<vmem>> -> memref<1x128xi32, #tpu.memory_space<vmem>>
        %dma_start3A_148 = tpu.memref_squeeze %dma_start3A_147 : memref<1x128xi32, #tpu.memory_space<vmem>> -> memref<128xi32, #tpu.memory_space<vmem>>
        %dma_start3A_149 = arith.constant 0 : i32
        %dma_start3A_150 = arith.constant 0 : i32
        %dma_start3A_151 = tpu.memref_slice %arg2[%dma_start3A_149, %dma_start3A_150] : memref<10000x128xf32, #tpu.memory_space<hbm>> -> memref<10000x128xf32, #tpu.memory_space<hbm>>
        tpu.enqueue_indirect_dma source(%dma_start3A_151 : memref<10000x128xf32, #tpu.memory_space<hbm>>) target(%dma_start3A_145 : memref<128x128xf32, #tpu.memory_space<vmem>>) offsets(%dma_start3A_148 : memref<128xi32, #tpu.memory_space<vmem>>) semaphore(%arg9 : memref<!tpu.dma_semaphore, #tpu.memory_space<semaphore_mem>>)
      } else {
      }
      %dma_start3A_123 = arith.constant 0 : i32
      %dma_start3A_124 = arith.constant 0 : i32
      %dma_start3A_125 = tpu.memref_slice %arg10[%rem3A_110, %dma_start3A_123, %dma_start3A_124] : memref<2x128x128xf32, #tpu.memory_space<vmem>> -> memref<1x128x128xf32, #tpu.memory_space<vmem>>
      %dma_start3A_126 = tpu.memref_squeeze %dma_start3A_125 : memref<1x128x128xf32, #tpu.memory_space<vmem>> -> memref<128x128xf32, #tpu.memory_space<vmem>>
      %dma_start3A_127 = arith.constant 0 : i32
      %dma_start3A_128 = tpu.memref_slice %arg8[%scan3A_109, %dma_start3A_127] : memref<40x128xi32, #tpu.memory_space<vmem>> -> memref<1x128xi32, #tpu.memory_space<vmem>>
      %dma_start3A_129 = tpu.memref_squeeze %dma_start3A_128 : memref<1x128xi32, #tpu.memory_space<vmem>> -> memref<128xi32, #tpu.memory_space<vmem>>
      %dma_start3A_130 = arith.constant 0 : i32
      %dma_start3A_131 = arith.constant 0 : i32
      %dma_start3A_132 = tpu.memref_slice %arg7[%dma_start3A_130, %dma_start3A_131] : memref<10240x128xf32, #tpu.memory_space<vmem_shared>> -> memref<10240x128xf32, #tpu.memory_space<vmem_shared>>
      %dma_start3A_133 = tpu.memref_slice %arg12[%rem3A_110] : memref<2x!tpu.dma_semaphore, #tpu.memory_space<semaphore_mem>> -> memref<1x!tpu.dma_semaphore, #tpu.memory_space<semaphore_mem>>
      %dma_start3A_134 = tpu.memref_squeeze %dma_start3A_133 : memref<1x!tpu.dma_semaphore, #tpu.memory_space<semaphore_mem>> -> memref<!tpu.dma_semaphore, #tpu.memory_space<semaphore_mem>>
      tpu.enqueue_indirect_dma source(%dma_start3A_126 : memref<128x128xf32, #tpu.memory_space<vmem>>) target(%dma_start3A_132 : memref<10240x128xf32, #tpu.memory_space<vmem_shared>>) offsets(%dma_start3A_129 : memref<128xi32, #tpu.memory_space<vmem>>) semaphore(%dma_start3A_134 : memref<!tpu.dma_semaphore, #tpu.memory_space<semaphore_mem>>) {add = true}
    }
    %scan3A_24 = arith.constant 40 : i32
    %dma_wait3A = arith.constant 0 : i32
    %dma_wait3A_25 = arith.constant 38 : i32
    %dma_wait3A_26 = arith.constant 0 : i32
    %dma_wait3A_27 = arith.constant 0 : i32
    %dma_wait3A_28 = arith.constant 0 : i32
    %dma_wait3A_29 = tpu.memref_slice %arg10[%dma_wait3A, %dma_wait3A_27, %dma_wait3A_28] : memref<2x128x128xf32, #tpu.memory_space<vmem>> -> memref<1x128x128xf32, #tpu.memory_space<vmem>>
    %dma_wait3A_30 = tpu.memref_squeeze %dma_wait3A_29 : memref<1x128x128xf32, #tpu.memory_space<vmem>> -> memref<128x128xf32, #tpu.memory_space<vmem>>
    %dma_wait3A_31 = arith.constant 0 : i32
    %dma_wait3A_32 = tpu.memref_slice %arg8[%dma_wait3A_25, %dma_wait3A_31] : memref<40x128xi32, #tpu.memory_space<vmem>> -> memref<1x128xi32, #tpu.memory_space<vmem>>
    %dma_wait3A_33 = tpu.memref_squeeze %dma_wait3A_32 : memref<1x128xi32, #tpu.memory_space<vmem>> -> memref<128xi32, #tpu.memory_space<vmem>>
    %dma_wait3A_34 = arith.constant 0 : i32
    %dma_wait3A_35 = arith.constant 0 : i32
    %dma_wait3A_36 = tpu.memref_slice %arg7[%dma_wait3A_34, %dma_wait3A_35] : memref<10240x128xf32, #tpu.memory_space<vmem_shared>> -> memref<10240x128xf32, #tpu.memory_space<vmem_shared>>
    %dma_wait3A_37 = tpu.memref_slice %arg12[%dma_wait3A_26] : memref<2x!tpu.dma_semaphore, #tpu.memory_space<semaphore_mem>> -> memref<1x!tpu.dma_semaphore, #tpu.memory_space<semaphore_mem>>
    %dma_wait3A_38 = tpu.memref_squeeze %dma_wait3A_37 : memref<1x!tpu.dma_semaphore, #tpu.memory_space<semaphore_mem>> -> memref<!tpu.dma_semaphore, #tpu.memory_space<semaphore_mem>>
    tpu.wait_indirect_dma semaphore(%dma_wait3A_38 : memref<!tpu.dma_semaphore, #tpu.memory_space<semaphore_mem>>) src(%dma_wait3A_30 : memref<128x128xf32, #tpu.memory_space<vmem>>) dst(%dma_wait3A_36 : memref<10240x128xf32, #tpu.memory_space<vmem_shared>>)
    %dma_wait3A_39 = arith.constant 1 : i32
    %dma_wait3A_40 = arith.constant 39 : i32
    %dma_wait3A_41 = arith.constant 1 : i32
    %dma_wait3A_42 = arith.constant 0 : i32
    %dma_wait3A_43 = arith.constant 0 : i32
    %dma_wait3A_44 = tpu.memref_slice %arg10[%dma_wait3A_39, %dma_wait3A_42, %dma_wait3A_43] : memref<2x128x128xf32, #tpu.memory_space<vmem>> -> memref<1x128x128xf32, #tpu.memory_space<vmem>>
    %dma_wait3A_45 = tpu.memref_squeeze %dma_wait3A_44 : memref<1x128x128xf32, #tpu.memory_space<vmem>> -> memref<128x128xf32, #tpu.memory_space<vmem>>
    %dma_wait3A_46 = arith.constant 0 : i32
    %dma_wait3A_47 = tpu.memref_slice %arg8[%dma_wait3A_40, %dma_wait3A_46] : memref<40x128xi32, #tpu.memory_space<vmem>> -> memref<1x128xi32, #tpu.memory_space<vmem>>
    %dma_wait3A_48 = tpu.memref_squeeze %dma_wait3A_47 : memref<1x128xi32, #tpu.memory_space<vmem>> -> memref<128xi32, #tpu.memory_space<vmem>>
    %dma_wait3A_49 = arith.constant 0 : i32
    %dma_wait3A_50 = arith.constant 0 : i32
    %dma_wait3A_51 = tpu.memref_slice %arg7[%dma_wait3A_49, %dma_wait3A_50] : memref<10240x128xf32, #tpu.memory_space<vmem_shared>> -> memref<10240x128xf32, #tpu.memory_space<vmem_shared>>
    %dma_wait3A_52 = tpu.memref_slice %arg12[%dma_wait3A_41] : memref<2x!tpu.dma_semaphore, #tpu.memory_space<semaphore_mem>> -> memref<1x!tpu.dma_semaphore, #tpu.memory_space<semaphore_mem>>
    %dma_wait3A_53 = tpu.memref_squeeze %dma_wait3A_52 : memref<1x!tpu.dma_semaphore, #tpu.memory_space<semaphore_mem>> -> memref<!tpu.dma_semaphore, #tpu.memory_space<semaphore_mem>>
    tpu.wait_indirect_dma semaphore(%dma_wait3A_53 : memref<!tpu.dma_semaphore, #tpu.memory_space<semaphore_mem>>) src(%dma_wait3A_45 : memref<128x128xf32, #tpu.memory_space<vmem>>) dst(%dma_wait3A_51 : memref<10240x128xf32, #tpu.memory_space<vmem_shared>>)
    %add3A_54 = arith.constant 40 : i32
    %add3A_55 = arith.addi %select_n3A, %add3A_54 : i32
    "tpu.region"() ({
      %run_scoped3A = tpu.sem_alloc : memref<!tpu.dma_semaphore, #tpu.memory_space<semaphore_mem>>
      %dma_start3A_109 = arith.constant 0 : i32
      %dma_start3A_110 = tpu.memref_slice %arg3[%add3A_55, %dma_start3A_109] : memref<2560x128xi32, #tpu.memory_space<hbm>> -> memref<40x128xi32, #tpu.memory_space<hbm>>
      %dma_start3A_111 = arith.constant 0 : i32
      %dma_start3A_112 = tpu.memref_slice %arg3[%add3A_55, %dma_start3A_111] : memref<2560x128xi32, #tpu.memory_space<hbm>> -> memref<40x128xi32, #tpu.memory_space<hbm>>
      tpu.enqueue_dma source(%dma_start3A_112 : memref<40x128xi32, #tpu.memory_space<hbm>>) target(%arg11 : memref<40x128xi32, #tpu.memory_space<vmem>>) target_semaphore(%run_scoped3A : memref<!tpu.dma_semaphore, #tpu.memory_space<semaphore_mem>>)
      %dma_wait3A_113 = arith.constant 0 : i32
      %dma_wait3A_114 = tpu.memref_slice %arg3[%add3A_55, %dma_wait3A_113] : memref<2560x128xi32, #tpu.memory_space<hbm>> -> memref<40x128xi32, #tpu.memory_space<hbm>>
      %dma_wait3A_115 = arith.constant 0 : i32
      %dma_wait3A_116 = tpu.memref_slice %arg3[%add3A_55, %dma_wait3A_115] : memref<2560x128xi32, #tpu.memory_space<hbm>> -> memref<40x128xi32, #tpu.memory_space<hbm>>
      tpu.wait_dma2 semaphore(%run_scoped3A : memref<!tpu.dma_semaphore, #tpu.memory_space<semaphore_mem>>) src(%dma_wait3A_116 : memref<40x128xi32, #tpu.memory_space<hbm>>) dst(%arg11 : memref<40x128xi32, #tpu.memory_space<vmem>>)
      tpu.yield
    }) : () -> ()
    "tpu.region"() ({
      %run_scoped3A = tpu.sem_alloc : memref<!tpu.dma_semaphore, #tpu.memory_space<semaphore_mem>>
      %dma_start3A_109 = arith.constant 0 : i32
      %dma_start3A_110 = tpu.memref_slice %arg4[%add3A_55, %dma_start3A_109] : memref<2560x128xi32, #tpu.memory_space<hbm>> -> memref<40x128xi32, #tpu.memory_space<hbm>>
      %dma_start3A_111 = arith.constant 0 : i32
      %dma_start3A_112 = tpu.memref_slice %arg4[%add3A_55, %dma_start3A_111] : memref<2560x128xi32, #tpu.memory_space<hbm>> -> memref<40x128xi32, #tpu.memory_space<hbm>>
      tpu.enqueue_dma source(%dma_start3A_112 : memref<40x128xi32, #tpu.memory_space<hbm>>) target(%arg8 : memref<40x128xi32, #tpu.memory_space<vmem>>) target_semaphore(%run_scoped3A : memref<!tpu.dma_semaphore, #tpu.memory_space<semaphore_mem>>)
      %dma_wait3A_113 = arith.constant 0 : i32
      %dma_wait3A_114 = tpu.memref_slice %arg4[%add3A_55, %dma_wait3A_113] : memref<2560x128xi32, #tpu.memory_space<hbm>> -> memref<40x128xi32, #tpu.memory_space<hbm>>
      %dma_wait3A_115 = arith.constant 0 : i32
      %dma_wait3A_116 = tpu.memref_slice %arg4[%add3A_55, %dma_wait3A_115] : memref<2560x128xi32, #tpu.memory_space<hbm>> -> memref<40x128xi32, #tpu.memory_space<hbm>>
      tpu.wait_dma2 semaphore(%run_scoped3A : memref<!tpu.dma_semaphore, #tpu.memory_space<semaphore_mem>>) src(%dma_wait3A_116 : memref<40x128xi32, #tpu.memory_space<hbm>>) dst(%arg8 : memref<40x128xi32, #tpu.memory_space<vmem>>)
      tpu.yield
    }) : () -> ()
    %dma_start3A_56 = arith.constant 0 : i32
    %dma_start3A_57 = arith.constant 0 : i32
    %dma_start3A_58 = arith.constant 0 : i32
    %dma_start3A_59 = arith.constant 0 : i32
    %dma_start3A_60 = tpu.memref_slice %arg10[%dma_start3A_57, %dma_start3A_58, %dma_start3A_59] : memref<2x128x128xf32, #tpu.memory_space<vmem>> -> memref<1x128x128xf32, #tpu.memory_space<vmem>>
    %dma_start3A_61 = tpu.memref_squeeze %dma_start3A_60 : memref<1x128x128xf32, #tpu.memory_space<vmem>> -> memref<128x128xf32, #tpu.memory_space<vmem>>
    %dma_start3A_62 = arith.constant 0 : i32
    %dma_start3A_63 = tpu.memref_slice %arg11[%dma_start3A_56, %dma_start3A_62] : memref<40x128xi32, #tpu.memory_space<vmem>> -> memref<1x128xi32, #tpu.memory_space<vmem>>
    %dma_start3A_64 = tpu.memref_squeeze %dma_start3A_63 : memref<1x128xi32, #tpu.memory_space<vmem>> -> memref<128xi32, #tpu.memory_space<vmem>>
    %dma_start3A_65 = arith.constant 0 : i32
    %dma_start3A_66 = arith.constant 0 : i32
    %dma_start3A_67 = tpu.memref_slice %arg2[%dma_start3A_65, %dma_start3A_66] : memref<10000x128xf32, #tpu.memory_space<hbm>> -> memref<10000x128xf32, #tpu.memory_space<hbm>>
    tpu.enqueue_indirect_dma source(%dma_start3A_67 : memref<10000x128xf32, #tpu.memory_space<hbm>>) target(%dma_start3A_61 : memref<128x128xf32, #tpu.memory_space<vmem>>) offsets(%dma_start3A_64 : memref<128xi32, #tpu.memory_space<vmem>>) semaphore(%arg9 : memref<!tpu.dma_semaphore, #tpu.memory_space<semaphore_mem>>)
    %scan3A_68 = arith.constant 0 : i32
    %scan3A_69 = arith.constant 0 : i32
    %scan3A_70 = arith.constant 40 : i32
    %scan3A_71 = arith.addi %scan3A_69, %scan3A_70 : i32
    %scan3A_72 = arith.constant 1 : i32
    scf.for %scan3A_109 = %scan3A_69 to %scan3A_71 step %scan3A_72  : i32 {
      %rem3A = arith.constant 2 : i32
      %rem3A_110 = arith.remsi %scan3A_109, %rem3A : i32
      %dma_wait3A_111 = arith.constant 0 : i32
      %dma_wait3A_112 = arith.constant 0 : i32
      %dma_wait3A_113 = tpu.memref_slice %arg10[%rem3A_110, %dma_wait3A_111, %dma_wait3A_112] : memref<2x128x128xf32, #tpu.memory_space<vmem>> -> memref<1x128x128xf32, #tpu.memory_space<vmem>>
      %dma_wait3A_114 = tpu.memref_squeeze %dma_wait3A_113 : memref<1x128x128xf32, #tpu.memory_space<vmem>> -> memref<128x128xf32, #tpu.memory_space<vmem>>
      %dma_wait3A_115 = arith.constant 0 : i32
      %dma_wait3A_116 = tpu.memref_slice %arg11[%scan3A_109, %dma_wait3A_115] : memref<40x128xi32, #tpu.memory_space<vmem>> -> memref<1x128xi32, #tpu.memory_space<vmem>>
      %dma_wait3A_117 = tpu.memref_squeeze %dma_wait3A_116 : memref<1x128xi32, #tpu.memory_space<vmem>> -> memref<128xi32, #tpu.memory_space<vmem>>
      %dma_wait3A_118 = arith.constant 0 : i32
      %dma_wait3A_119 = arith.constant 0 : i32
      %dma_wait3A_120 = tpu.memref_slice %arg2[%dma_wait3A_118, %dma_wait3A_119] : memref<10000x128xf32, #tpu.memory_space<hbm>> -> memref<10000x128xf32, #tpu.memory_space<hbm>>
      tpu.wait_indirect_dma semaphore(%arg9 : memref<!tpu.dma_semaphore, #tpu.memory_space<semaphore_mem>>) src(%dma_wait3A_120 : memref<10000x128xf32, #tpu.memory_space<hbm>>) dst(%dma_wait3A_114 : memref<128x128xf32, #tpu.memory_space<vmem>>)
      %lt3A = arith.constant 39 : i32
      %lt3A_121 = arith.cmpi slt, %scan3A_109, %lt3A : i32
      %convert_element_type3A = arith.extui %lt3A_121 : i1 to i32
      %cond3A = arith.constant 0 : i32
      %cond3A_122 = arith.cmpi ne, %convert_element_type3A, %cond3A : i32
      scf.if %cond3A_122 {
        %ge3A = arith.constant 1 : i32
        %ge3A_135 = arith.cmpi sge, %scan3A_109, %ge3A : i32
        %convert_element_type3A_136 = arith.extui %ge3A_135 : i1 to i32
        %cond3A_137 = arith.constant 0 : i32
        %cond3A_138 = arith.cmpi ne, %convert_element_type3A_136, %cond3A_137 : i32
        scf.if %cond3A_138 {
          %sub3A_152 = arith.constant 1 : i32
          %sub3A_153 = arith.subi %scan3A_109, %sub3A_152 : i32
          %sub3A_154 = arith.constant 1 : i32
          %sub3A_155 = arith.subi %sub3A_154, %rem3A_110 : i32
          %dma_wait3A_156 = arith.constant 0 : i32
          %dma_wait3A_157 = arith.constant 0 : i32
          %dma_wait3A_158 = tpu.memref_slice %arg10[%sub3A_155, %dma_wait3A_156, %dma_wait3A_157] : memref<2x128x128xf32, #tpu.memory_space<vmem>> -> memref<1x128x128xf32, #tpu.memory_space<vmem>>
          %dma_wait3A_159 = tpu.memref_squeeze %dma_wait3A_158 : memref<1x128x128xf32, #tpu.memory_space<vmem>> -> memref<128x128xf32, #tpu.memory_space<vmem>>
          %dma_wait3A_160 = arith.constant 0 : i32
          %dma_wait3A_161 = tpu.memref_slice %arg8[%sub3A_153, %dma_wait3A_160] : memref<40x128xi32, #tpu.memory_space<vmem>> -> memref<1x128xi32, #tpu.memory_space<vmem>>
          %dma_wait3A_162 = tpu.memref_squeeze %dma_wait3A_161 : memref<1x128xi32, #tpu.memory_space<vmem>> -> memref<128xi32, #tpu.memory_space<vmem>>
          %dma_wait3A_163 = arith.constant 0 : i32
          %dma_wait3A_164 = arith.constant 0 : i32
          %dma_wait3A_165 = tpu.memref_slice %arg7[%dma_wait3A_163, %dma_wait3A_164] : memref<10240x128xf32, #tpu.memory_space<vmem_shared>> -> memref<10240x128xf32, #tpu.memory_space<vmem_shared>>
          %dma_wait3A_166 = tpu.memref_slice %arg12[%sub3A_155] : memref<2x!tpu.dma_semaphore, #tpu.memory_space<semaphore_mem>> -> memref<1x!tpu.dma_semaphore, #tpu.memory_space<semaphore_mem>>
          %dma_wait3A_167 = tpu.memref_squeeze %dma_wait3A_166 : memref<1x!tpu.dma_semaphore, #tpu.memory_space<semaphore_mem>> -> memref<!tpu.dma_semaphore, #tpu.memory_space<semaphore_mem>>
          tpu.wait_indirect_dma semaphore(%dma_wait3A_167 : memref<!tpu.dma_semaphore, #tpu.memory_space<semaphore_mem>>) src(%dma_wait3A_159 : memref<128x128xf32, #tpu.memory_space<vmem>>) dst(%dma_wait3A_165 : memref<10240x128xf32, #tpu.memory_space<vmem_shared>>)
        } else {
        }
        %add3A_139 = arith.constant 1 : i32
        %add3A_140 = arith.addi %scan3A_109, %add3A_139 : i32
        %sub3A = arith.constant 1 : i32
        %sub3A_141 = arith.subi %sub3A, %rem3A_110 : i32
        %dma_start3A_142 = arith.constant 0 : i32
        %dma_start3A_143 = arith.constant 0 : i32
        %dma_start3A_144 = tpu.memref_slice %arg10[%sub3A_141, %dma_start3A_142, %dma_start3A_143] : memref<2x128x128xf32, #tpu.memory_space<vmem>> -> memref<1x128x128xf32, #tpu.memory_space<vmem>>
        %dma_start3A_145 = tpu.memref_squeeze %dma_start3A_144 : memref<1x128x128xf32, #tpu.memory_space<vmem>> -> memref<128x128xf32, #tpu.memory_space<vmem>>
        %dma_start3A_146 = arith.constant 0 : i32
        %dma_start3A_147 = tpu.memref_slice %arg11[%add3A_140, %dma_start3A_146] : memref<40x128xi32, #tpu.memory_space<vmem>> -> memref<1x128xi32, #tpu.memory_space<vmem>>
        %dma_start3A_148 = tpu.memref_squeeze %dma_start3A_147 : memref<1x128xi32, #tpu.memory_space<vmem>> -> memref<128xi32, #tpu.memory_space<vmem>>
        %dma_start3A_149 = arith.constant 0 : i32
        %dma_start3A_150 = arith.constant 0 : i32
        %dma_start3A_151 = tpu.memref_slice %arg2[%dma_start3A_149, %dma_start3A_150] : memref<10000x128xf32, #tpu.memory_space<hbm>> -> memref<10000x128xf32, #tpu.memory_space<hbm>>
        tpu.enqueue_indirect_dma source(%dma_start3A_151 : memref<10000x128xf32, #tpu.memory_space<hbm>>) target(%dma_start3A_145 : memref<128x128xf32, #tpu.memory_space<vmem>>) offsets(%dma_start3A_148 : memref<128xi32, #tpu.memory_space<vmem>>) semaphore(%arg9 : memref<!tpu.dma_semaphore, #tpu.memory_space<semaphore_mem>>)
      } else {
      }
      %dma_start3A_123 = arith.constant 0 : i32
      %dma_start3A_124 = arith.constant 0 : i32
      %dma_start3A_125 = tpu.memref_slice %arg10[%rem3A_110, %dma_start3A_123, %dma_start3A_124] : memref<2x128x128xf32, #tpu.memory_space<vmem>> -> memref<1x128x128xf32, #tpu.memory_space<vmem>>
      %dma_start3A_126 = tpu.memref_squeeze %dma_start3A_125 : memref<1x128x128xf32, #tpu.memory_space<vmem>> -> memref<128x128xf32, #tpu.memory_space<vmem>>
      %dma_start3A_127 = arith.constant 0 : i32
      %dma_start3A_128 = tpu.memref_slice %arg8[%scan3A_109, %dma_start3A_127] : memref<40x128xi32, #tpu.memory_space<vmem>> -> memref<1x128xi32, #tpu.memory_space<vmem>>
      %dma_start3A_129 = tpu.memref_squeeze %dma_start3A_128 : memref<1x128xi32, #tpu.memory_space<vmem>> -> memref<128xi32, #tpu.memory_space<vmem>>
      %dma_start3A_130 = arith.constant 0 : i32
      %dma_start3A_131 = arith.constant 0 : i32
      %dma_start3A_132 = tpu.memref_slice %arg7[%dma_start3A_130, %dma_start3A_131] : memref<10240x128xf32, #tpu.memory_space<vmem_shared>> -> memref<10240x128xf32, #tpu.memory_space<vmem_shared>>
      %dma_start3A_133 = tpu.memref_slice %arg12[%rem3A_110] : memref<2x!tpu.dma_semaphore, #tpu.memory_space<semaphore_mem>> -> memref<1x!tpu.dma_semaphore, #tpu.memory_space<semaphore_mem>>
      %dma_start3A_134 = tpu.memref_squeeze %dma_start3A_133 : memref<1x!tpu.dma_semaphore, #tpu.memory_space<semaphore_mem>> -> memref<!tpu.dma_semaphore, #tpu.memory_space<semaphore_mem>>
      tpu.enqueue_indirect_dma source(%dma_start3A_126 : memref<128x128xf32, #tpu.memory_space<vmem>>) target(%dma_start3A_132 : memref<10240x128xf32, #tpu.memory_space<vmem_shared>>) offsets(%dma_start3A_129 : memref<128xi32, #tpu.memory_space<vmem>>) semaphore(%dma_start3A_134 : memref<!tpu.dma_semaphore, #tpu.memory_space<semaphore_mem>>) {add = true}
    }
    %scan3A_73 = arith.constant 40 : i32
    %dma_wait3A_74 = arith.constant 0 : i32
    %dma_wait3A_75 = arith.constant 38 : i32
    %dma_wait3A_76 = arith.constant 0 : i32
    %dma_wait3A_77 = arith.constant 0 : i32
    %dma_wait3A_78 = arith.constant 0 : i32
    %dma_wait3A_79 = tpu.memref_slice %arg10[%dma_wait3A_74, %dma_wait3A_77, %dma_wait3A_78] : memref<2x128x128xf32, #tpu.memory_space<vmem>> -> memref<1x128x128xf32, #tpu.memory_space<vmem>>
    %dma_wait3A_80 = tpu.memref_squeeze %dma_wait3A_79 : memref<1x128x128xf32, #tpu.memory_space<vmem>> -> memref<128x128xf32, #tpu.memory_space<vmem>>
    %dma_wait3A_81 = arith.constant 0 : i32
    %dma_wait3A_82 = tpu.memref_slice %arg8[%dma_wait3A_75, %dma_wait3A_81] : memref<40x128xi32, #tpu.memory_space<vmem>> -> memref<1x128xi32, #tpu.memory_space<vmem>>
    %dma_wait3A_83 = tpu.memref_squeeze %dma_wait3A_82 : memref<1x128xi32, #tpu.memory_space<vmem>> -> memref<128xi32, #tpu.memory_space<vmem>>
    %dma_wait3A_84 = arith.constant 0 : i32
    %dma_wait3A_85 = arith.constant 0 : i32
    %dma_wait3A_86 = tpu.memref_slice %arg7[%dma_wait3A_84, %dma_wait3A_85] : memref<10240x128xf32, #tpu.memory_space<vmem_shared>> -> memref<10240x128xf32, #tpu.memory_space<vmem_shared>>
    %dma_wait3A_87 = tpu.memref_slice %arg12[%dma_wait3A_76] : memref<2x!tpu.dma_semaphore, #tpu.memory_space<semaphore_mem>> -> memref<1x!tpu.dma_semaphore, #tpu.memory_space<semaphore_mem>>
    %dma_wait3A_88 = tpu.memref_squeeze %dma_wait3A_87 : memref<1x!tpu.dma_semaphore, #tpu.memory_space<semaphore_mem>> -> memref<!tpu.dma_semaphore, #tpu.memory_space<semaphore_mem>>
    tpu.wait_indirect_dma semaphore(%dma_wait3A_88 : memref<!tpu.dma_semaphore, #tpu.memory_space<semaphore_mem>>) src(%dma_wait3A_80 : memref<128x128xf32, #tpu.memory_space<vmem>>) dst(%dma_wait3A_86 : memref<10240x128xf32, #tpu.memory_space<vmem_shared>>)
    %dma_wait3A_89 = arith.constant 1 : i32
    %dma_wait3A_90 = arith.constant 39 : i32
    %dma_wait3A_91 = arith.constant 1 : i32
    %dma_wait3A_92 = arith.constant 0 : i32
    %dma_wait3A_93 = arith.constant 0 : i32
    %dma_wait3A_94 = tpu.memref_slice %arg10[%dma_wait3A_89, %dma_wait3A_92, %dma_wait3A_93] : memref<2x128x128xf32, #tpu.memory_space<vmem>> -> memref<1x128x128xf32, #tpu.memory_space<vmem>>
    %dma_wait3A_95 = tpu.memref_squeeze %dma_wait3A_94 : memref<1x128x128xf32, #tpu.memory_space<vmem>> -> memref<128x128xf32, #tpu.memory_space<vmem>>
    %dma_wait3A_96 = arith.constant 0 : i32
    %dma_wait3A_97 = tpu.memref_slice %arg8[%dma_wait3A_90, %dma_wait3A_96] : memref<40x128xi32, #tpu.memory_space<vmem>> -> memref<1x128xi32, #tpu.memory_space<vmem>>
    %dma_wait3A_98 = tpu.memref_squeeze %dma_wait3A_97 : memref<1x128xi32, #tpu.memory_space<vmem>> -> memref<128xi32, #tpu.memory_space<vmem>>
    %dma_wait3A_99 = arith.constant 0 : i32
    %dma_wait3A_100 = arith.constant 0 : i32
    %dma_wait3A_101 = tpu.memref_slice %arg7[%dma_wait3A_99, %dma_wait3A_100] : memref<10240x128xf32, #tpu.memory_space<vmem_shared>> -> memref<10240x128xf32, #tpu.memory_space<vmem_shared>>
    %dma_wait3A_102 = tpu.memref_slice %arg12[%dma_wait3A_91] : memref<2x!tpu.dma_semaphore, #tpu.memory_space<semaphore_mem>> -> memref<1x!tpu.dma_semaphore, #tpu.memory_space<semaphore_mem>>
    %dma_wait3A_103 = tpu.memref_squeeze %dma_wait3A_102 : memref<1x!tpu.dma_semaphore, #tpu.memory_space<semaphore_mem>> -> memref<!tpu.dma_semaphore, #tpu.memory_space<semaphore_mem>>
    tpu.wait_indirect_dma semaphore(%dma_wait3A_103 : memref<!tpu.dma_semaphore, #tpu.memory_space<semaphore_mem>>) src(%dma_wait3A_95 : memref<128x128xf32, #tpu.memory_space<vmem>>) dst(%dma_wait3A_101 : memref<10240x128xf32, #tpu.memory_space<vmem_shared>>)
    %barrier3A_104 = arith.constant 0 : index
    tpu.barrier barrier_id(%barrier3A_104)
    %mul3A_105 = arith.constant 640 : i32
    %mul3A_106 = arith.muli %mul3A_105, %arg1 : i32
    %mul3A_107 = arith.constant 640 : i32
    %mul3A_108 = arith.muli %mul3A_107, %arg1 : i32
    "tpu.region"() ({
      %run_scoped3A = tpu.sem_alloc : memref<!tpu.dma_semaphore, #tpu.memory_space<semaphore_mem>>
      %dma_start3A_109 = arith.constant 0 : i32
      %dma_start3A_110 = tpu.memref_slice %arg6[%arg0, %mul3A_108, %dma_start3A_109] : memref<2x10240x128xf32, #tpu.memory_space<hbm>> -> memref<1x640x128xf32, #tpu.memory_space<hbm>>
      %dma_start3A_111 = tpu.memref_squeeze %dma_start3A_110 : memref<1x640x128xf32, #tpu.memory_space<hbm>> -> memref<640x128xf32, #tpu.memory_space<hbm>>
      %dma_start3A_112 = arith.constant 0 : i32
      %dma_start3A_113 = tpu.memref_slice %arg7[%mul3A_106, %dma_start3A_112] : memref<10240x128xf32, #tpu.memory_space<vmem_shared>> -> memref<640x128xf32, #tpu.memory_space<vmem_shared>>
      tpu.enqueue_dma source(%dma_start3A_113 : memref<640x128xf32, #tpu.memory_space<vmem_shared>>) target(%dma_start3A_111 : memref<640x128xf32, #tpu.memory_space<hbm>>) target_semaphore(%run_scoped3A : memref<!tpu.dma_semaphore, #tpu.memory_space<semaphore_mem>>)
      %dma_wait3A_114 = arith.constant 0 : i32
      %dma_wait3A_115 = tpu.memref_slice %arg6[%arg0, %mul3A_108, %dma_wait3A_114] : memref<2x10240x128xf32, #tpu.memory_space<hbm>> -> memref<1x640x128xf32, #tpu.memory_space<hbm>>
      %dma_wait3A_116 = tpu.memref_squeeze %dma_wait3A_115 : memref<1x640x128xf32, #tpu.memory_space<hbm>> -> memref<640x128xf32, #tpu.memory_space<hbm>>
      %dma_wait3A_117 = arith.constant 0 : i32
      %dma_wait3A_118 = tpu.memref_slice %arg7[%mul3A_106, %dma_wait3A_117] : memref<10240x128xf32, #tpu.memory_space<vmem_shared>> -> memref<640x128xf32, #tpu.memory_space<vmem_shared>>
      tpu.wait_dma2 semaphore(%run_scoped3A : memref<!tpu.dma_semaphore, #tpu.memory_space<semaphore_mem>>) src(%dma_wait3A_118 : memref<640x128xf32, #tpu.memory_space<vmem_shared>>) dst(%dma_wait3A_116 : memref<640x128xf32, #tpu.memory_space<hbm>>)
      tpu.yield
    }) : () -> ()
    return
  }
}

#map = affine_map<(d0, d1) -> (0, 0)>
#map1 = affine_map<(d0, d1) -> (0, 0, 0)>
module attributes {stable_mosaic.version = 14 : i64} {
  func.func @body(%arg0: i32, %arg1: i32, %arg2: memref<2560x128xi32, #tpu.memory_space<hbm>>, %arg3: memref<640x128xf32, #tpu.memory_space<hbm>>, %arg4: memref<2x10240x128xf32, #tpu.memory_space<hbm>>, %arg5: memref<10240x128xf32, #tpu.memory_space<vmem_shared>>, %arg6: memref<40x128xi32, #tpu.memory_space<vmem>>, %arg7: memref<128x128xf32, #tpu.memory_space<vmem>>, %arg8: memref<!tpu.dma_semaphore, #tpu.memory_space<semaphore_mem>>) attributes {dimension_semantics = [#tpu.dimension_semantics<core_parallel>, #tpu.dimension_semantics<subcore_parallel>], iteration_bounds = array<i64: 2, 16>, scalar_prefetch = 0 : i64, scratch_operands = 4 : i64, tpu.core_type = #tpu.core_type<sc_vector_subcore>, window_params = [{transform_indices = #map}, {transform_indices = #map}, {transform_indices = #map1}]} {
    %mul3A = arith.constant 2 : i32
    %mul3A_0 = arith.muli %arg1, %mul3A : i32
    %add3A = arith.addi %mul3A_0, %arg0 : i32
    %broadcast_in_dim3A = arith.constant 1.000000e+00 : f32
    %broadcast_in_dim3A_1 = vector.broadcast %broadcast_in_dim3A : f32 to vector<16xf32>
    %scan3A = arith.constant 0 : i32
    %scan3A_2 = arith.constant 0 : i32
    %scan3A_3 = arith.constant 128 : i32
    %scan3A_4 = arith.addi %scan3A_2, %scan3A_3 : i32
    %scan3A_5 = arith.constant 1 : i32
    scf.for %scan3A_46 = %scan3A_2 to %scan3A_4 step %scan3A_5  : i32 {
      %swap3A = arith.index_cast %scan3A_46 : i32 to index
      %swap3A_47 = arith.constant 0 : index
      %swap3A_48 = tpu.vector_load %arg7[%swap3A, %swap3A_47] {strides = array<i32>} : memref<128x128xf32, #tpu.memory_space<vmem>>, vector<1x16xf32>,
      %swap3A_49 = vector.shape_cast %swap3A_48 : vector<1x16xf32> to vector<16xf32>
      %swap3A_50 = vector.shape_cast %broadcast_in_dim3A_1 : vector<16xf32> to vector<1x16xf32>
      tpu.vector_store %arg7[%swap3A, %swap3A_47], %swap3A_50 {strides = array<i32>} : memref<128x128xf32, #tpu.memory_space<vmem>>, vector<1x16xf32>,
      %swap3A_51 = arith.index_cast %scan3A_46 : i32 to index
      %swap3A_52 = arith.constant 16 : index
      %swap3A_53 = tpu.vector_load %arg7[%swap3A_51, %swap3A_52] {strides = array<i32>} : memref<128x128xf32, #tpu.memory_space<vmem>>, vector<1x16xf32>,
      %swap3A_54 = vector.shape_cast %swap3A_53 : vector<1x16xf32> to vector<16xf32>
      %swap3A_55 = vector.shape_cast %broadcast_in_dim3A_1 : vector<16xf32> to vector<1x16xf32>
      tpu.vector_store %arg7[%swap3A_51, %swap3A_52], %swap3A_55 {strides = array<i32>} : memref<128x128xf32, #tpu.memory_space<vmem>>, vector<1x16xf32>,
      %swap3A_56 = arith.index_cast %scan3A_46 : i32 to index
      %swap3A_57 = arith.constant 32 : index
      %swap3A_58 = tpu.vector_load %arg7[%swap3A_56, %swap3A_57] {strides = array<i32>} : memref<128x128xf32, #tpu.memory_space<vmem>>, vector<1x16xf32>,
      %swap3A_59 = vector.shape_cast %swap3A_58 : vector<1x16xf32> to vector<16xf32>
      %swap3A_60 = vector.shape_cast %broadcast_in_dim3A_1 : vector<16xf32> to vector<1x16xf32>
      tpu.vector_store %arg7[%swap3A_56, %swap3A_57], %swap3A_60 {strides = array<i32>} : memref<128x128xf32, #tpu.memory_space<vmem>>, vector<1x16xf32>,
      %swap3A_61 = arith.index_cast %scan3A_46 : i32 to index
      %swap3A_62 = arith.constant 48 : index
      %swap3A_63 = tpu.vector_load %arg7[%swap3A_61, %swap3A_62] {strides = array<i32>} : memref<128x128xf32, #tpu.memory_space<vmem>>, vector<1x16xf32>,
      %swap3A_64 = vector.shape_cast %swap3A_63 : vector<1x16xf32> to vector<16xf32>
      %swap3A_65 = vector.shape_cast %broadcast_in_dim3A_1 : vector<16xf32> to vector<1x16xf32>
      tpu.vector_store %arg7[%swap3A_61, %swap3A_62], %swap3A_65 {strides = array<i32>} : memref<128x128xf32, #tpu.memory_space<vmem>>, vector<1x16xf32>,
      %swap3A_66 = arith.index_cast %scan3A_46 : i32 to index
      %swap3A_67 = arith.constant 64 : index
      %swap3A_68 = tpu.vector_load %arg7[%swap3A_66, %swap3A_67] {strides = array<i32>} : memref<128x128xf32, #tpu.memory_space<vmem>>, vector<1x16xf32>,
      %swap3A_69 = vector.shape_cast %swap3A_68 : vector<1x16xf32> to vector<16xf32>
      %swap3A_70 = vector.shape_cast %broadcast_in_dim3A_1 : vector<16xf32> to vector<1x16xf32>
      tpu.vector_store %arg7[%swap3A_66, %swap3A_67], %swap3A_70 {strides = array<i32>} : memref<128x128xf32, #tpu.memory_space<vmem>>, vector<1x16xf32>,
      %swap3A_71 = arith.index_cast %scan3A_46 : i32 to index
      %swap3A_72 = arith.constant 80 : index
      %swap3A_73 = tpu.vector_load %arg7[%swap3A_71, %swap3A_72] {strides = array<i32>} : memref<128x128xf32, #tpu.memory_space<vmem>>, vector<1x16xf32>,
      %swap3A_74 = vector.shape_cast %swap3A_73 : vector<1x16xf32> to vector<16xf32>
      %swap3A_75 = vector.shape_cast %broadcast_in_dim3A_1 : vector<16xf32> to vector<1x16xf32>
      tpu.vector_store %arg7[%swap3A_71, %swap3A_72], %swap3A_75 {strides = array<i32>} : memref<128x128xf32, #tpu.memory_space<vmem>>, vector<1x16xf32>,
      %swap3A_76 = arith.index_cast %scan3A_46 : i32 to index
      %swap3A_77 = arith.constant 96 : index
      %swap3A_78 = tpu.vector_load %arg7[%swap3A_76, %swap3A_77] {strides = array<i32>} : memref<128x128xf32, #tpu.memory_space<vmem>>, vector<1x16xf32>,
      %swap3A_79 = vector.shape_cast %swap3A_78 : vector<1x16xf32> to vector<16xf32>
      %swap3A_80 = vector.shape_cast %broadcast_in_dim3A_1 : vector<16xf32> to vector<1x16xf32>
      tpu.vector_store %arg7[%swap3A_76, %swap3A_77], %swap3A_80 {strides = array<i32>} : memref<128x128xf32, #tpu.memory_space<vmem>>, vector<1x16xf32>,
      %swap3A_81 = arith.index_cast %scan3A_46 : i32 to index
      %swap3A_82 = arith.constant 112 : index
      %swap3A_83 = tpu.vector_load %arg7[%swap3A_81, %swap3A_82] {strides = array<i32>} : memref<128x128xf32, #tpu.memory_space<vmem>>, vector<1x16xf32>,
      %swap3A_84 = vector.shape_cast %swap3A_83 : vector<1x16xf32> to vector<16xf32>
      %swap3A_85 = vector.shape_cast %broadcast_in_dim3A_1 : vector<16xf32> to vector<1x16xf32>
      tpu.vector_store %arg7[%swap3A_81, %swap3A_82], %swap3A_85 {strides = array<i32>} : memref<128x128xf32, #tpu.memory_space<vmem>>, vector<1x16xf32>,
    }
    %scan3A_6 = arith.constant 128 : i32
    %mul3A_7 = arith.constant 640 : i32
    %mul3A_8 = arith.muli %mul3A_7, %arg1 : i32
    "tpu.region"() ({
      %run_scoped3A = tpu.sem_alloc : memref<!tpu.dma_semaphore, #tpu.memory_space<semaphore_mem>>
      %dma_start3A = arith.constant 0 : i32
      %dma_start3A_46 = tpu.memref_slice %arg5[%mul3A_8, %dma_start3A] : memref<10240x128xf32, #tpu.memory_space<vmem_shared>> -> memref<640x128xf32, #tpu.memory_space<vmem_shared>>
      tpu.enqueue_dma source(%arg3 : memref<640x128xf32, #tpu.memory_space<hbm>>) target(%dma_start3A_46 : memref<640x128xf32, #tpu.memory_space<vmem_shared>>) target_semaphore(%run_scoped3A : memref<!tpu.dma_semaphore, #tpu.memory_space<semaphore_mem>>)
      %dma_wait3A = arith.constant 0 : i32
      %dma_wait3A_47 = tpu.memref_slice %arg5[%mul3A_8, %dma_wait3A] : memref<10240x128xf32, #tpu.memory_space<vmem_shared>> -> memref<640x128xf32, #tpu.memory_space<vmem_shared>>
      tpu.wait_dma2 semaphore(%run_scoped3A : memref<!tpu.dma_semaphore, #tpu.memory_space<semaphore_mem>>) src(%arg3 : memref<640x128xf32, #tpu.memory_space<hbm>>) dst(%dma_wait3A_47 : memref<640x128xf32, #tpu.memory_space<vmem_shared>>)
      tpu.yield
    }) : () -> ()
    %barrier3A = arith.constant 0 : index
    tpu.barrier barrier_id(%barrier3A)
    %mul3A_9 = arith.constant 80 : i32
    %mul3A_10 = arith.muli %add3A, %mul3A_9 : i32
    %add3A_11 = arith.constant 0 : i32
    %add3A_12 = arith.addi %mul3A_10, %add3A_11 : i32
    "tpu.region"() ({
      %run_scoped3A = tpu.sem_alloc : memref<!tpu.dma_semaphore, #tpu.memory_space<semaphore_mem>>
      %dma_start3A = arith.constant 0 : i32
      %dma_start3A_46 = tpu.memref_slice %arg2[%add3A_12, %dma_start3A] : memref<2560x128xi32, #tpu.memory_space<hbm>> -> memref<40x128xi32, #tpu.memory_space<hbm>>
      %dma_start3A_47 = arith.constant 0 : i32
      %dma_start3A_48 = tpu.memref_slice %arg2[%add3A_12, %dma_start3A_47] : memref<2560x128xi32, #tpu.memory_space<hbm>> -> memref<40x128xi32, #tpu.memory_space<hbm>>
      tpu.enqueue_dma source(%dma_start3A_48 : memref<40x128xi32, #tpu.memory_space<hbm>>) target(%arg6 : memref<40x128xi32, #tpu.memory_space<vmem>>) target_semaphore(%run_scoped3A : memref<!tpu.dma_semaphore, #tpu.memory_space<semaphore_mem>>)
      %dma_wait3A = arith.constant 0 : i32
      %dma_wait3A_49 = tpu.memref_slice %arg2[%add3A_12, %dma_wait3A] : memref<2560x128xi32, #tpu.memory_space<hbm>> -> memref<40x128xi32, #tpu.memory_space<hbm>>
      %dma_wait3A_50 = arith.constant 0 : i32
      %dma_wait3A_51 = tpu.memref_slice %arg2[%add3A_12, %dma_wait3A_50] : memref<2560x128xi32, #tpu.memory_space<hbm>> -> memref<40x128xi32, #tpu.memory_space<hbm>>
      tpu.wait_dma2 semaphore(%run_scoped3A : memref<!tpu.dma_semaphore, #tpu.memory_space<semaphore_mem>>) src(%dma_wait3A_51 : memref<40x128xi32, #tpu.memory_space<hbm>>) dst(%arg6 : memref<40x128xi32, #tpu.memory_space<vmem>>)
      tpu.yield
    }) : () -> ()
    %scan3A_13 = arith.constant 0 : i32
    %scan3A_14 = arith.constant 0 : i32
    %scan3A_15 = arith.constant 40 : i32
    %scan3A_16 = arith.addi %scan3A_14, %scan3A_15 : i32
    %scan3A_17 = arith.constant 1 : i32
    scf.for %scan3A_46 = %scan3A_14 to %scan3A_16 step %scan3A_17  : i32 {
      %dma_start3A = arith.constant 0 : i32
      %dma_start3A_47 = tpu.memref_slice %arg6[%scan3A_46, %dma_start3A] : memref<40x128xi32, #tpu.memory_space<vmem>> -> memref<1x128xi32, #tpu.memory_space<vmem>>
      %dma_start3A_48 = tpu.memref_squeeze %dma_start3A_47 : memref<1x128xi32, #tpu.memory_space<vmem>> -> memref<128xi32, #tpu.memory_space<vmem>>
      %dma_start3A_49 = arith.constant 0 : i32
      %dma_start3A_50 = arith.constant 0 : i32
      %dma_start3A_51 = tpu.memref_slice %arg5[%dma_start3A_49, %dma_start3A_50] : memref<10240x128xf32, #tpu.memory_space<vmem_shared>> -> memref<10240x128xf32, #tpu.memory_space<vmem_shared>>
      tpu.enqueue_indirect_dma source(%arg7 : memref<128x128xf32, #tpu.memory_space<vmem>>) target(%dma_start3A_51 : memref<10240x128xf32, #tpu.memory_space<vmem_shared>>) offsets(%dma_start3A_48 : memref<128xi32, #tpu.memory_space<vmem>>) semaphore(%arg8 : memref<!tpu.dma_semaphore, #tpu.memory_space<semaphore_mem>>) {add = true}
    }
    %scan3A_18 = arith.constant 40 : i32
    %scan3A_19 = arith.constant 0 : i32
    %scan3A_20 = arith.constant 0 : i32
    %scan3A_21 = arith.constant 40 : i32
    %scan3A_22 = arith.addi %scan3A_20, %scan3A_21 : i32
    %scan3A_23 = arith.constant 1 : i32
    scf.for %scan3A_46 = %scan3A_20 to %scan3A_22 step %scan3A_23  : i32 {
      %dma_wait3A = arith.constant 0 : i32
      %dma_wait3A_47 = tpu.memref_slice %arg6[%scan3A_46, %dma_wait3A] : memref<40x128xi32, #tpu.memory_space<vmem>> -> memref<1x128xi32, #tpu.memory_space<vmem>>
      %dma_wait3A_48 = tpu.memref_squeeze %dma_wait3A_47 : memref<1x128xi32, #tpu.memory_space<vmem>> -> memref<128xi32, #tpu.memory_space<vmem>>
      %dma_wait3A_49 = arith.constant 0 : i32
      %dma_wait3A_50 = arith.constant 0 : i32
      %dma_wait3A_51 = tpu.memref_slice %arg5[%dma_wait3A_49, %dma_wait3A_50] : memref<10240x128xf32, #tpu.memory_space<vmem_shared>> -> memref<10240x128xf32, #tpu.memory_space<vmem_shared>>
      tpu.wait_indirect_dma semaphore(%arg8 : memref<!tpu.dma_semaphore, #tpu.memory_space<semaphore_mem>>) src(%arg7 : memref<128x128xf32, #tpu.memory_space<vmem>>) dst(%dma_wait3A_51 : memref<10240x128xf32, #tpu.memory_space<vmem_shared>>)
    }
    %scan3A_24 = arith.constant 40 : i32
    %mul3A_25 = arith.constant 80 : i32
    %mul3A_26 = arith.muli %add3A, %mul3A_25 : i32
    %add3A_27 = arith.constant 40 : i32
    %add3A_28 = arith.addi %mul3A_26, %add3A_27 : i32
    "tpu.region"() ({
      %run_scoped3A = tpu.sem_alloc : memref<!tpu.dma_semaphore, #tpu.memory_space<semaphore_mem>>
      %dma_start3A = arith.constant 0 : i32
      %dma_start3A_46 = tpu.memref_slice %arg2[%add3A_28, %dma_start3A] : memref<2560x128xi32, #tpu.memory_space<hbm>> -> memref<40x128xi32, #tpu.memory_space<hbm>>
      %dma_start3A_47 = arith.constant 0 : i32
      %dma_start3A_48 = tpu.memref_slice %arg2[%add3A_28, %dma_start3A_47] : memref<2560x128xi32, #tpu.memory_space<hbm>> -> memref<40x128xi32, #tpu.memory_space<hbm>>
      tpu.enqueue_dma source(%dma_start3A_48 : memref<40x128xi32, #tpu.memory_space<hbm>>) target(%arg6 : memref<40x128xi32, #tpu.memory_space<vmem>>) target_semaphore(%run_scoped3A : memref<!tpu.dma_semaphore, #tpu.memory_space<semaphore_mem>>)
      %dma_wait3A = arith.constant 0 : i32
      %dma_wait3A_49 = tpu.memref_slice %arg2[%add3A_28, %dma_wait3A] : memref<2560x128xi32, #tpu.memory_space<hbm>> -> memref<40x128xi32, #tpu.memory_space<hbm>>
      %dma_wait3A_50 = arith.constant 0 : i32
      %dma_wait3A_51 = tpu.memref_slice %arg2[%add3A_28, %dma_wait3A_50] : memref<2560x128xi32, #tpu.memory_space<hbm>> -> memref<40x128xi32, #tpu.memory_space<hbm>>
      tpu.wait_dma2 semaphore(%run_scoped3A : memref<!tpu.dma_semaphore, #tpu.memory_space<semaphore_mem>>) src(%dma_wait3A_51 : memref<40x128xi32, #tpu.memory_space<hbm>>) dst(%arg6 : memref<40x128xi32, #tpu.memory_space<vmem>>)
      tpu.yield
    }) : () -> ()
    %scan3A_29 = arith.constant 0 : i32
    %scan3A_30 = arith.constant 0 : i32
    %scan3A_31 = arith.constant 40 : i32
    %scan3A_32 = arith.addi %scan3A_30, %scan3A_31 : i32
    %scan3A_33 = arith.constant 1 : i32
    scf.for %scan3A_46 = %scan3A_30 to %scan3A_32 step %scan3A_33  : i32 {
      %dma_start3A = arith.constant 0 : i32
      %dma_start3A_47 = tpu.memref_slice %arg6[%scan3A_46, %dma_start3A] : memref<40x128xi32, #tpu.memory_space<vmem>> -> memref<1x128xi32, #tpu.memory_space<vmem>>
      %dma_start3A_48 = tpu.memref_squeeze %dma_start3A_47 : memref<1x128xi32, #tpu.memory_space<vmem>> -> memref<128xi32, #tpu.memory_space<vmem>>
      %dma_start3A_49 = arith.constant 0 : i32
      %dma_start3A_50 = arith.constant 0 : i32
      %dma_start3A_51 = tpu.memref_slice %arg5[%dma_start3A_49, %dma_start3A_50] : memref<10240x128xf32, #tpu.memory_space<vmem_shared>> -> memref<10240x128xf32, #tpu.memory_space<vmem_shared>>
      tpu.enqueue_indirect_dma source(%arg7 : memref<128x128xf32, #tpu.memory_space<vmem>>) target(%dma_start3A_51 : memref<10240x128xf32, #tpu.memory_space<vmem_shared>>) offsets(%dma_start3A_48 : memref<128xi32, #tpu.memory_space<vmem>>) semaphore(%arg8 : memref<!tpu.dma_semaphore, #tpu.memory_space<semaphore_mem>>) {add = true}
    }
    %scan3A_34 = arith.constant 40 : i32
    %scan3A_35 = arith.constant 0 : i32
    %scan3A_36 = arith.constant 0 : i32
    %scan3A_37 = arith.constant 40 : i32
    %scan3A_38 = arith.addi %scan3A_36, %scan3A_37 : i32
    %scan3A_39 = arith.constant 1 : i32
    scf.for %scan3A_46 = %scan3A_36 to %scan3A_38 step %scan3A_39  : i32 {
      %dma_wait3A = arith.constant 0 : i32
      %dma_wait3A_47 = tpu.memref_slice %arg6[%scan3A_46, %dma_wait3A] : memref<40x128xi32, #tpu.memory_space<vmem>> -> memref<1x128xi32, #tpu.memory_space<vmem>>
      %dma_wait3A_48 = tpu.memref_squeeze %dma_wait3A_47 : memref<1x128xi32, #tpu.memory_space<vmem>> -> memref<128xi32, #tpu.memory_space<vmem>>
      %dma_wait3A_49 = arith.constant 0 : i32
      %dma_wait3A_50 = arith.constant 0 : i32
      %dma_wait3A_51 = tpu.memref_slice %arg5[%dma_wait3A_49, %dma_wait3A_50] : memref<10240x128xf32, #tpu.memory_space<vmem_shared>> -> memref<10240x128xf32, #tpu.memory_space<vmem_shared>>
      tpu.wait_indirect_dma semaphore(%arg8 : memref<!tpu.dma_semaphore, #tpu.memory_space<semaphore_mem>>) src(%arg7 : memref<128x128xf32, #tpu.memory_space<vmem>>) dst(%dma_wait3A_51 : memref<10240x128xf32, #tpu.memory_space<vmem_shared>>)
    }
    %scan3A_40 = arith.constant 40 : i32
    %barrier3A_41 = arith.constant 0 : index
    tpu.barrier barrier_id(%barrier3A_41)
    %mul3A_42 = arith.constant 640 : i32
    %mul3A_43 = arith.muli %mul3A_42, %arg1 : i32
    %mul3A_44 = arith.constant 640 : i32
    %mul3A_45 = arith.muli %mul3A_44, %arg1 : i32
    "tpu.region"() ({
      %run_scoped3A = tpu.sem_alloc : memref<!tpu.dma_semaphore, #tpu.memory_space<semaphore_mem>>
      %dma_start3A = arith.constant 0 : i32
      %dma_start3A_46 = tpu.memref_slice %arg4[%arg0, %mul3A_45, %dma_start3A] : memref<2x10240x128xf32, #tpu.memory_space<hbm>> -> memref<1x640x128xf32, #tpu.memory_space<hbm>>
      %dma_start3A_47 = tpu.memref_squeeze %dma_start3A_46 : memref<1x640x128xf32, #tpu.memory_space<hbm>> -> memref<640x128xf32, #tpu.memory_space<hbm>>
      %dma_start3A_48 = arith.constant 0 : i32
      %dma_start3A_49 = tpu.memref_slice %arg5[%mul3A_43, %dma_start3A_48] : memref<10240x128xf32, #tpu.memory_space<vmem_shared>> -> memref<640x128xf32, #tpu.memory_space<vmem_shared>>
      tpu.enqueue_dma source(%dma_start3A_49 : memref<640x128xf32, #tpu.memory_space<vmem_shared>>) target(%dma_start3A_47 : memref<640x128xf32, #tpu.memory_space<hbm>>) target_semaphore(%run_scoped3A : memref<!tpu.dma_semaphore, #tpu.memory_space<semaphore_mem>>)
      %dma_wait3A = arith.constant 0 : i32
      %dma_wait3A_50 = tpu.memref_slice %arg4[%arg0, %mul3A_45, %dma_wait3A] : memref<2x10240x128xf32, #tpu.memory_space<hbm>> -> memref<1x640x128xf32, #tpu.memory_space<hbm>>
      %dma_wait3A_51 = tpu.memref_squeeze %dma_wait3A_50 : memref<1x640x128xf32, #tpu.memory_space<hbm>> -> memref<640x128xf32, #tpu.memory_space<hbm>>
      %dma_wait3A_52 = arith.constant 0 : i32
      %dma_wait3A_53 = tpu.memref_slice %arg5[%mul3A_43, %dma_wait3A_52] : memref<10240x128xf32, #tpu.memory_space<vmem_shared>> -> memref<640x128xf32, #tpu.memory_space<vmem_shared>>
      tpu.wait_dma2 semaphore(%run_scoped3A : memref<!tpu.dma_semaphore, #tpu.memory_space<semaphore_mem>>) src(%dma_wait3A_53 : memref<640x128xf32, #tpu.memory_space<vmem_shared>>) dst(%dma_wait3A_51 : memref<640x128xf32, #tpu.memory_space<hbm>>)
      tpu.yield
    }) : () -> ()
    return
  }
}

module attributes {stable_mosaic.version = 14 : i64} {
  func.func @body(%arg0: i32, %arg1: memref<2x2000x128xf32, #tpu.memory_space<vmem>>, %arg2: memref<2x2000x128xf32, #tpu.memory_space<vmem>>, %arg3: memref<2000x128xf32, #tpu.memory_space<vmem>>, %arg4: memref<128x128xf32, #tpu.memory_space<vmem>>, %arg5: memref<1x128xf32, #tpu.memory_space<vmem>>, %arg6: memref<128x128xf32, #tpu.memory_space<vmem>>, %arg7: memref<2000x128xf32, #tpu.memory_space<vmem>>) attributes {dimension_semantics = [#tpu.dimension_semantics<arbitrary>], iteration_bounds = array<i64: 5>, scalar_prefetch = 0 : i64, scratch_operands = 0 : i64, tpu.core_type = #tpu.core_type<tc>, window_params = [{transform_indices = @transform_0, window_bounds = array<i64: 2, 2000, 128>}, {transform_indices = @transform_1, window_bounds = array<i64: 2, 2000, 128>}, {transform_indices = @transform_2, window_bounds = array<i64: 2000, 128>}, {pipeline_mode = #tpu.pipeline_mode<synchronous>, transform_indices = @transform_3, window_bounds = array<i64: 128, 128>}, {pipeline_mode = #tpu.pipeline_mode<synchronous>, transform_indices = @transform_4, window_bounds = array<i64: 1, 128>}, {pipeline_mode = #tpu.pipeline_mode<synchronous>, transform_indices = @transform_5, window_bounds = array<i64: 128, 128>}, {transform_indices = @transform_6, window_bounds = array<i64: 2000, 128>}]} {
    %get3A = arith.constant 0 : index
    %get3A_0 = arith.constant 0 : index
    %get3A_1 = arith.constant 0 : index
    %get3A_2 = vector.load %arg1[%get3A, %get3A_0, %get3A_1] : memref<2x2000x128xf32, #tpu.memory_space<vmem>>, vector<1x2000x128xf32>
    %get3A_3 = vector.shape_cast %get3A_2 : vector<1x2000x128xf32> to vector<2000x128xf32>
    %get3A_4 = arith.constant 1 : index
    %get3A_5 = arith.constant 0 : index
    %get3A_6 = arith.constant 0 : index
    %get3A_7 = vector.load %arg1[%get3A_4, %get3A_5, %get3A_6] : memref<2x2000x128xf32, #tpu.memory_space<vmem>>, vector<1x2000x128xf32>
    %get3A_8 = vector.shape_cast %get3A_7 : vector<1x2000x128xf32> to vector<2000x128xf32>
    %add3A = arith.addf %get3A_3, %get3A_8 : vector<2000x128xf32>
    %get3A_9 = arith.constant 0 : index
    %get3A_10 = arith.constant 0 : index
    %get3A_11 = arith.constant 0 : index
    %get3A_12 = vector.load %arg2[%get3A_9, %get3A_10, %get3A_11] : memref<2x2000x128xf32, #tpu.memory_space<vmem>>, vector<1x2000x1xf32>
    %get3A_13 = vector.shape_cast %get3A_12 : vector<1x2000x1xf32> to vector<2000x1xf32>
    %get3A_14 = arith.constant 1 : index
    %get3A_15 = arith.constant 0 : index
    %get3A_16 = arith.constant 0 : index
    %get3A_17 = vector.load %arg2[%get3A_14, %get3A_15, %get3A_16] : memref<2x2000x128xf32, #tpu.memory_space<vmem>>, vector<1x2000x1xf32>
    %get3A_18 = vector.shape_cast %get3A_17 : vector<1x2000x1xf32> to vector<2000x1xf32>
    %add3A_19 = arith.addf %get3A_13, %get3A_18 : vector<2000x1xf32>
    %max3A = arith.constant 1.000000e+00 : f32
    %max3A_20 = vector.broadcast %max3A : f32 to vector<2000x1xf32>
    %max3A_21 = arith.maximumf %add3A_19, %max3A_20 : vector<2000x1xf32>
    %div3A = vector.broadcast %max3A_21 : vector<2000x1xf32> to vector<2000x128xf32>
    %div3A_22 = arith.divf %add3A, %div3A : vector<2000x128xf32>
    %get3A_23 = arith.constant 0 : index
    %get3A_24 = arith.constant 0 : index
    %get3A_25 = vector.load %arg4[%get3A_23, %get3A_24] : memref<128x128xf32, #tpu.memory_space<vmem>>, vector<128x128xf32>
    %dot_general3A = arith.constant dense<0.000000e+00> : vector<2000x128xf32>
    %dot_general3A_26 = tpu.matmul %div3A_22, %get3A_25, %dot_general3A {dimension_numbers = #tpu.dot_dimension_numbers<[1], [0], [0], [1], [0, 0, 1, 1], [], []>, transpose_lhs_hint = false} : vector<2000x128xf32>, vector<128x128xf32>, vector<2000x128xf32> -> vector<2000x128xf32>
    %get3A_27 = arith.constant 0 : index
    %get3A_28 = arith.constant 0 : index
    %get3A_29 = vector.load %arg3[%get3A_27, %get3A_28] : memref<2000x128xf32, #tpu.memory_space<vmem>>, vector<2000x128xf32>
    %get3A_30 = arith.constant 0 : index
    %get3A_31 = arith.constant 0 : index
    %get3A_32 = vector.load %arg6[%get3A_30, %get3A_31] : memref<128x128xf32, #tpu.memory_space<vmem>>, vector<128x128xf32>
    %dot_general3A_33 = arith.constant dense<0.000000e+00> : vector<2000x128xf32>
    %dot_general3A_34 = tpu.matmul %get3A_29, %get3A_32, %dot_general3A_33 {dimension_numbers = #tpu.dot_dimension_numbers<[1], [0], [0], [1], [0, 0, 1, 1], [], []>, transpose_lhs_hint = false} : vector<2000x128xf32>, vector<128x128xf32>, vector<2000x128xf32> -> vector<2000x128xf32>
    %add3A_35 = arith.addf %dot_general3A_26, %dot_general3A_34 : vector<2000x128xf32>
    %get3A_36 = arith.constant 0 : index
    %get3A_37 = arith.constant 0 : index
    %get3A_38 = vector.load %arg5[%get3A_36, %get3A_37] : memref<1x128xf32, #tpu.memory_space<vmem>>, vector<1x128xf32>
    %add3A_39 = vector.broadcast %get3A_38 : vector<1x128xf32> to vector<2000x128xf32>
    %add3A_40 = arith.addf %add3A_35, %add3A_39 : vector<2000x128xf32>
    %max3A_41 = arith.constant 0.000000e+00 : f32
    %max3A_42 = vector.broadcast %max3A_41 : f32 to vector<2000x128xf32>
    %max3A_43 = arith.maximumf %add3A_40, %max3A_42 : vector<2000x128xf32>
    %swap3A = arith.constant 0 : index
    %swap3A_44 = arith.constant 0 : index
    %swap3A_45 = vector.load %arg7[%swap3A, %swap3A_44] : memref<2000x128xf32, #tpu.memory_space<vmem>>, vector<2000x128xf32>
    tpu.vector_store %arg7[%swap3A, %swap3A_44], %max3A_43 {strides = array<i32>} : memref<2000x128xf32, #tpu.memory_space<vmem>>, vector<2000x128xf32>,
    return
  }
  func.func @transform_0(%arg0: i32) -> (i32, i32, i32) {
    %c0_i32 = arith.constant 0 : i32
    %c0_i32_0 = arith.constant 0 : i32
    %c0_i32_1 = arith.constant 0 : i32
    return %c0_i32, %arg0, %c0_i32_0 : i32, i32, i32
  }
  func.func @transform_1(%arg0: i32) -> (i32, i32, i32) {
    %c0_i32 = arith.constant 0 : i32
    %c0_i32_0 = arith.constant 0 : i32
    %c0_i32_1 = arith.constant 0 : i32
    return %c0_i32, %arg0, %c0_i32_0 : i32, i32, i32
  }
  func.func @transform_2(%arg0: i32) -> (i32, i32) {
    %c0_i32 = arith.constant 0 : i32
    %c0_i32_0 = arith.constant 0 : i32
    return %arg0, %c0_i32 : i32, i32
  }
  func.func @transform_3(%arg0: i32) -> (i32, i32) {
    %c0_i32 = arith.constant 0 : i32
    %c0_i32_0 = arith.constant 0 : i32
    %c0_i32_1 = arith.constant 0 : i32
    return %c0_i32, %c0_i32_0 : i32, i32
  }
  func.func @transform_4(%arg0: i32) -> (i32, i32) {
    %c0_i32 = arith.constant 0 : i32
    %c0_i32_0 = arith.constant 0 : i32
    %c0_i32_1 = arith.constant 0 : i32
    return %c0_i32, %c0_i32_0 : i32, i32
  }
  func.func @transform_5(%arg0: i32) -> (i32, i32) {
    %c0_i32 = arith.constant 0 : i32
    %c0_i32_0 = arith.constant 0 : i32
    %c0_i32_1 = arith.constant 0 : i32
    return %c0_i32, %c0_i32_0 : i32, i32
  }
  func.func @transform_6(%arg0: i32) -> (i32, i32) {
    %c0_i32 = arith.constant 0 : i32
    %c0_i32_0 = arith.constant 0 : i32
    return %arg0, %c0_i32 : i32, i32
  }
}

module attributes {stable_mosaic.version = 14 : i64} {
  func.func @body(%arg0: i32, %arg1: memref<2x2000x128xf32, #tpu.memory_space<vmem>>, %arg2: memref<2x2000x128xf32, #tpu.memory_space<vmem>>, %arg3: memref<2000x128xf32, #tpu.memory_space<vmem>>, %arg4: memref<128x128xf32, #tpu.memory_space<vmem>>, %arg5: memref<1x128xf32, #tpu.memory_space<vmem>>, %arg6: memref<128x128xf32, #tpu.memory_space<vmem>>, %arg7: memref<2000x128xf32, #tpu.memory_space<vmem>>) attributes {dimension_semantics = [#tpu.dimension_semantics<arbitrary>], iteration_bounds = array<i64: 5>, scalar_prefetch = 0 : i64, scratch_operands = 0 : i64, tpu.core_type = #tpu.core_type<tc>, window_params = [{transform_indices = @transform_0, window_bounds = array<i64: 2, 2000, 128>}, {transform_indices = @transform_1, window_bounds = array<i64: 2, 2000, 128>}, {transform_indices = @transform_2, window_bounds = array<i64: 2000, 128>}, {pipeline_mode = #tpu.pipeline_mode<synchronous>, transform_indices = @transform_3, window_bounds = array<i64: 128, 128>}, {pipeline_mode = #tpu.pipeline_mode<synchronous>, transform_indices = @transform_4, window_bounds = array<i64: 1, 128>}, {pipeline_mode = #tpu.pipeline_mode<synchronous>, transform_indices = @transform_5, window_bounds = array<i64: 128, 128>}, {transform_indices = @transform_6, window_bounds = array<i64: 2000, 128>}]} {
    %get3A = arith.constant 0 : index
    %get3A_0 = arith.constant 0 : index
    %get3A_1 = arith.constant 0 : index
    %get3A_2 = vector.load %arg1[%get3A, %get3A_0, %get3A_1] : memref<2x2000x128xf32, #tpu.memory_space<vmem>>, vector<1x2000x128xf32>
    %get3A_3 = vector.shape_cast %get3A_2 : vector<1x2000x128xf32> to vector<2000x128xf32>
    %get3A_4 = arith.constant 1 : index
    %get3A_5 = arith.constant 0 : index
    %get3A_6 = arith.constant 0 : index
    %get3A_7 = vector.load %arg1[%get3A_4, %get3A_5, %get3A_6] : memref<2x2000x128xf32, #tpu.memory_space<vmem>>, vector<1x2000x128xf32>
    %get3A_8 = vector.shape_cast %get3A_7 : vector<1x2000x128xf32> to vector<2000x128xf32>
    %add3A = arith.addf %get3A_3, %get3A_8 : vector<2000x128xf32>
    %get3A_9 = arith.constant 0 : index
    %get3A_10 = arith.constant 0 : index
    %get3A_11 = arith.constant 0 : index
    %get3A_12 = vector.load %arg2[%get3A_9, %get3A_10, %get3A_11] : memref<2x2000x128xf32, #tpu.memory_space<vmem>>, vector<1x2000x1xf32>
    %get3A_13 = vector.shape_cast %get3A_12 : vector<1x2000x1xf32> to vector<2000x1xf32>
    %get3A_14 = arith.constant 1 : index
    %get3A_15 = arith.constant 0 : index
    %get3A_16 = arith.constant 0 : index
    %get3A_17 = vector.load %arg2[%get3A_14, %get3A_15, %get3A_16] : memref<2x2000x128xf32, #tpu.memory_space<vmem>>, vector<1x2000x1xf32>
    %get3A_18 = vector.shape_cast %get3A_17 : vector<1x2000x1xf32> to vector<2000x1xf32>
    %add3A_19 = arith.addf %get3A_13, %get3A_18 : vector<2000x1xf32>
    %max3A = arith.constant 1.000000e+00 : f32
    %max3A_20 = vector.broadcast %max3A : f32 to vector<2000x1xf32>
    %max3A_21 = arith.maximumf %add3A_19, %max3A_20 : vector<2000x1xf32>
    %div3A = vector.broadcast %max3A_21 : vector<2000x1xf32> to vector<2000x128xf32>
    %div3A_22 = arith.divf %add3A, %div3A : vector<2000x128xf32>
    %get3A_23 = arith.constant 0 : index
    %get3A_24 = arith.constant 0 : index
    %get3A_25 = vector.load %arg4[%get3A_23, %get3A_24] : memref<128x128xf32, #tpu.memory_space<vmem>>, vector<128x128xf32>
    %dot_general3A = arith.constant dense<0.000000e+00> : vector<2000x128xf32>
    %dot_general3A_26 = tpu.matmul %div3A_22, %get3A_25, %dot_general3A {dimension_numbers = #tpu.dot_dimension_numbers<[1], [0], [0], [1], [0, 0, 1, 1], [], []>, transpose_lhs_hint = false} : vector<2000x128xf32>, vector<128x128xf32>, vector<2000x128xf32> -> vector<2000x128xf32>
    %get3A_27 = arith.constant 0 : index
    %get3A_28 = arith.constant 0 : index
    %get3A_29 = vector.load %arg3[%get3A_27, %get3A_28] : memref<2000x128xf32, #tpu.memory_space<vmem>>, vector<2000x128xf32>
    %get3A_30 = arith.constant 0 : index
    %get3A_31 = arith.constant 0 : index
    %get3A_32 = vector.load %arg6[%get3A_30, %get3A_31] : memref<128x128xf32, #tpu.memory_space<vmem>>, vector<128x128xf32>
    %dot_general3A_33 = arith.constant dense<0.000000e+00> : vector<2000x128xf32>
    %dot_general3A_34 = tpu.matmul %get3A_29, %get3A_32, %dot_general3A_33 {dimension_numbers = #tpu.dot_dimension_numbers<[1], [0], [0], [1], [0, 0, 1, 1], [], []>, transpose_lhs_hint = false} : vector<2000x128xf32>, vector<128x128xf32>, vector<2000x128xf32> -> vector<2000x128xf32>
    %add3A_35 = arith.addf %dot_general3A_26, %dot_general3A_34 : vector<2000x128xf32>
    %get3A_36 = arith.constant 0 : index
    %get3A_37 = arith.constant 0 : index
    %get3A_38 = vector.load %arg5[%get3A_36, %get3A_37] : memref<1x128xf32, #tpu.memory_space<vmem>>, vector<1x128xf32>
    %add3A_39 = vector.broadcast %get3A_38 : vector<1x128xf32> to vector<2000x128xf32>
    %add3A_40 = arith.addf %add3A_35, %add3A_39 : vector<2000x128xf32>
    %swap3A = arith.constant 0 : index
    %swap3A_41 = arith.constant 0 : index
    %swap3A_42 = vector.load %arg7[%swap3A, %swap3A_41] : memref<2000x128xf32, #tpu.memory_space<vmem>>, vector<2000x128xf32>
    tpu.vector_store %arg7[%swap3A, %swap3A_41], %add3A_40 {strides = array<i32>} : memref<2000x128xf32, #tpu.memory_space<vmem>>, vector<2000x128xf32>,
    return
  }
  func.func @transform_0(%arg0: i32) -> (i32, i32, i32) {
    %c0_i32 = arith.constant 0 : i32
    %c0_i32_0 = arith.constant 0 : i32
    %c0_i32_1 = arith.constant 0 : i32
    return %c0_i32, %arg0, %c0_i32_0 : i32, i32, i32
  }
  func.func @transform_1(%arg0: i32) -> (i32, i32, i32) {
    %c0_i32 = arith.constant 0 : i32
    %c0_i32_0 = arith.constant 0 : i32
    %c0_i32_1 = arith.constant 0 : i32
    return %c0_i32, %arg0, %c0_i32_0 : i32, i32, i32
  }
  func.func @transform_2(%arg0: i32) -> (i32, i32) {
    %c0_i32 = arith.constant 0 : i32
    %c0_i32_0 = arith.constant 0 : i32
    return %arg0, %c0_i32 : i32, i32
  }
  func.func @transform_3(%arg0: i32) -> (i32, i32) {
    %c0_i32 = arith.constant 0 : i32
    %c0_i32_0 = arith.constant 0 : i32
    %c0_i32_1 = arith.constant 0 : i32
    return %c0_i32, %c0_i32_0 : i32, i32
  }
  func.func @transform_4(%arg0: i32) -> (i32, i32) {
    %c0_i32 = arith.constant 0 : i32
    %c0_i32_0 = arith.constant 0 : i32
    %c0_i32_1 = arith.constant 0 : i32
    return %c0_i32, %c0_i32_0 : i32, i32
  }
  func.func @transform_5(%arg0: i32) -> (i32, i32) {
    %c0_i32 = arith.constant 0 : i32
    %c0_i32_0 = arith.constant 0 : i32
    %c0_i32_1 = arith.constant 0 : i32
    return %c0_i32, %c0_i32_0 : i32, i32
  }
  func.func @transform_6(%arg0: i32) -> (i32, i32) {
    %c0_i32 = arith.constant 0 : i32
    %c0_i32_0 = arith.constant 0 : i32
    return %arg0, %c0_i32 : i32, i32
  }
}

</mosaic_0001>

<sc_bundles>
// kernel: kernel.10.cloned.1.call-start
scs
__scs_entry_jumppad:
0x0: {  	(pc) =	sbr.rel $0x88, $3  }
0x1: {  	(tag) =	ssettag $0x0;
	lr =	simm.s32 $0x1  }
0x2: {  	[smem:$0x3F99] =	sst lr;
	_ =	strace $0xD0000000  }
0x3: {  	_ = 	snop  }
0x4: {  	_ = 	snop  }
0x5: {  	_ = 	snop  }
0x6: {  	_ = 	snop  }
0x7: {  	_ = 	snop  }
__scs_overlays_trampoline_lowered:
0x8: {  	[smem:$0x3FA8] =	sst s0  }
0x9: {  	[smem:$0x3FA9] =	sst s1  }
0xa: {  	[smem:$0x3FAA] =	sst s2  }
0xb: {  	[smem:$0x3FAB] =	sst s3  }
0xc: {  	[smem:$0x3FAC] =	sst s4  }
0xd: {  	[smem:$0x3FAD] =	sst s5  }
0xe: {  	[smem:$0x3FAE] =	sst s6  }
0xf: {  	[smem:$0x3FAF] =	sst s7  }
0x10: {  	[smem:$0x3FB0] =	sst s8  }
0x11: {  	[smem:$0x3FB1] =	sst s9;
	s0 =	simm.s32 @!p0 $0x0  }
0x12: {  	s1 =	sld [smem:$0x3F97];
	s0 =	simm.s32 @p0 $0x1  }
0x13: {  	[smem:$0x3FB2] =	sst s0;
	s0 =	simm.s32 @!p1 $0x0  }
0x14: {  	s2 =	sld [smem:$0x3F96];
	s0 =	simm.s32 @p1 $0x1  }
0x15: {  	[smem:$0x3FB3] =	sst s0;
	s0 =	simm.s32 @!p2 $0x0  }
0x16: {  	s3 =	sld [smem:$0x3FDB];
	s0 =	simm.s32 @p2 $0x1  }
0x17: {  	s4 =	simm.s32 $0x1BF5;
	[smem:$0x3FB5] =	sst s0  }
0x18: {  	s0 =	sld [smem:$0x3F98];
	_ =	swait.ge [sflag:s4], $0x0  }
0x19: {  	s7 =	sld [smem:$0x3F99]  }
0x1a: {  	s8 =	sadd.s32 $0xFFFFE003, lr  }
0x1b: {  	s9 =	sadd.s32 $0xFFFFFEF7, lr;
	s5 =	simm.s32 $0xFFFFFFFF;
	p2 =	slt.u32 s8, $0xFFFFF086  }
0x1c: {  	p1 =	slt.u32 s9, $0xF7A;
	s5 =	simm.s32 @!p2 $0x0  }
0x1d: {  	s5 =	simm.s32 @p1 $0x1;
	p0 =	seq.s32 s7, s2  }
0x1e: {  	s7 =	smul.u32 @!p0 $0xF7A, s2;
	p2 =	seq.s32 @!p0 s5, $0x0  }
0x1f: {  	s9 =	smul.u32 $0xF7A, s1;
	s8 =	simm.s32 @!p0 $0x1BF5;
	p2 =	por !p2, p0  }
0x20: {  	[sflag:s8] =	ssyncset.s32 @!p0 $0xFFFFF086;
	s6 =	sadd.s32 @!p0 s3, s7;
	s7 =	simm.s32 @!p0 $0x108  }
0x21: {  	s3 =	sadd.s32 s3, s9;
	s6 =	sadd.s32 @!p0 $0x88, s6;
	s7 =	simm.s32 @p2 $0x1082  }
0x22: {  	[simem:s7], [sflag:s8] =	dma.local @!p0 [hbm:s6], $0xF7A  }
0x23: {  	s9 =	sor.u32 $0xD0000000, s2;
	s6 =	simm.s32 $0x108;
	_ =	swait.ge @!p0 [sflag:s8], $0x0  }
0x24: {  	s3 =	sadd.s32 $0x88, s3;
	s6 =	simm.s32 @!p1 $0x1082;
	[sflag:s4] =	ssyncset.s32 $0xFFFFF086  }
0x25: {  	[simem:s6], [sflag:s4] =	dma.local [hbm:s3], $0xF7A  }
0x26: {  	[smem:$0x3F99] =	sst s1;
	(tag) =	ssettag s2;
	_ =	strace s9  }
0x27: {  	s1 =	sld [smem:$0x3FA9]  }
0x28: {  	s2 =	sld [smem:$0x3FAA]  }
0x29: {  	s4 =	sld [smem:$0x3FAC]  }
0x2a: {  	p0 =	seq.s32 s5, $0x0;
	s5 =	sld [smem:$0x3FAD]  }
0x2b: {  	s6 =	sld [smem:$0x3FAE]  }
0x2c: {  	s7 =	sld [smem:$0x3FAF]  }
0x2d: {  	s3 =	simm.s32 $0x108;
	s8 =	sld [smem:$0x3FB0]  }
0x2e: {  	s3 =	simm.s32 @!p0 $0x1082;
	s9 =	sld [smem:$0x3FB1]  }
0x2f: {  	lr =	sadd.s32 s0, s3;
	s0 =	sld [smem:$0x3FA8]  }
0x30: {  	s3 =	sld [smem:$0x3FAB]  }
0x31: {  	[smem:$0x3FB4] =	sst s10  }
0x32: {  	s10 =	sld [smem:$0x3FB2];
	_ =	sdelay $0x3  }
0x33: {  	p0 =	seq.s32 s10, $0x1;
	s10 =	sld [smem:$0x3FB4];
	_ =	sdelay $0x3  }
0x34: {  	[smem:$0x3FB4] =	sst s10  }
0x35: {  	s10 =	sld [smem:$0x3FB3];
	_ =	sdelay $0x3  }
0x36: {  	p1 =	seq.s32 s10, $0x1;
	s10 =	sld [smem:$0x3FB4];
	_ =	sdelay $0x3  }
0x37: {  	[smem:$0x3FB4] =	sst s10  }
0x38: {  	s10 =	sld [smem:$0x3FB5]  }
0x39: {  	_ = 	snop;
	(pc) =	sbr.ind lr, $3  }
0x3a: {  	_ = 	snop  }
0x3b: {  	_ = 	snop  }
0x3c: {  	p2 =	seq.s32 s10, $0x1;
	s10 =	sld [smem:$0x3FB4]  }
0x3d: {  	_ =	shalt  }
0x3e: {  	_ =	shalt  }
0x3f: {  	_ =	shalt  }
0x40: {  	_ =	shalt  }
0x41: {  	_ =	shalt  }
0x42: {  	_ =	shalt  }
0x43: {  	_ =	shalt  }
0x44: {  	_ =	shalt  }
0x45: {  	_ =	shalt  }
0x46: {  	_ =	shalt  }
0x47: {  	_ =	shalt  }
0x48: {  	_ =	shalt  }
0x49: {  	_ =	shalt  }
0x4a: {  	_ =	shalt  }
0x4b: {  	_ =	shalt  }
0x4c: {  	_ =	shalt  }
0x4d: {  	_ =	shalt  }
0x4e: {  	_ =	shalt  }
0x4f: {  	_ =	shalt  }
0x50: {  	_ =	shalt  }
0x51: {  	_ =	shalt  }
0x52: {  	_ =	shalt  }
0x53: {  	_ =	shalt  }
0x54: {  	_ =	shalt  }
0x55: {  	_ =	shalt  }
0x56: {  	_ =	shalt  }
0x57: {  	_ =	shalt  }
0x58: {  	_ =	shalt  }
0x59: {  	_ =	shalt  }
0x5a: {  	_ =	shalt  }
0x5b: {  	_ =	shalt  }
0x5c: {  	_ =	shalt  }
0x5d: {  	_ =	shalt  }
0x5e: {  	_ =	shalt  }
0x5f: {  	_ =	shalt  }
0x60: {  	_ =	shalt  }
0x61: {  	_ =	shalt  }
0x62: {  	_ =	shalt  }
0x63: {  	_ =	shalt  }
0x64: {  	_ =	shalt  }
0x65: {  	_ =	shalt  }
0x66: {  	_ =	shalt  }
0x67: {  	_ =	shalt  }
0x68: {  	_ =	shalt  }
0x69: {  	_ =	shalt  }
0x6a: {  	_ =	shalt  }
0x6b: {  	_ =	shalt  }
0x6c: {  	_ =	shalt  }
0x6d: {  	_ =	shalt  }
0x6e: {  	_ =	shalt  }
0x6f: {  	_ =	shalt  }
0x70: {  	_ =	shalt  }
0x71: {  	_ =	shalt  }
0x72: {  	_ =	shalt  }
0x73: {  	_ =	shalt  }
0x74: {  	_ =	shalt  }
0x75: {  	_ =	shalt  }
0x76: {  	_ =	shalt  }
0x77: {  	_ =	shalt  }
0x78: {  	_ =	shalt  }
0x79: {  	_ =	shalt  }
0x7a: {  	_ =	shalt  }
0x7b: {  	_ =	shalt  }
0x7c: {  	_ =	shalt  }
0x7d: {  	_ =	shalt  }
0x7e: {  	_ =	shalt  }
0x7f: {  	_ =	shalt  }
0x80: {  	_ =	shalt  }
0x81: {  	_ =	shalt  }
0x82: {  	_ =	shalt  }
0x83: {  	_ =	shalt  }
0x84: {  	_ =	shalt  }
0x85: {  	_ =	shalt  }
0x86: {  	_ =	shalt  }
0x87: {  	_ =	shalt  }
.Lfunc_end0:
.L_simem_size_0:
called_computation.1_lowered:
.L_overlay_start_0:
0x88: {  	s2 =	sld [smem:$0x3FD9]  }
0x89: {  	s3 =	sld [smem:$0x3FFE];
	_ =	sdelay $0x1  }
0x8a: {  	s1 =	srdreg.scid  }
0x8b: {  	s0 =	sand.u32 $0x1, s1  }
0x8c: {  	s17 =	sshll.u32 s0, $0xA;
	s2 =	sadd.s32 s3, s2  }
0x8d: {  	s2 =	sadd.s32 s2, s17  }
0x8e: {  	[smem:$0x3FC0] =	sst s2  }
0x8f: {  	_ = 	snop  }
0x90: {  	s2 =	sld [smem:$0x3FC9];
	(tm) =	ssettm $0x1  }
0x91: {  	s18 =	sld [smem:$0x3FFB];
	_ =	sdelay $0x3  }
0x92: {  	_ =	strace s18  }
0x93: {  	s3 =	sld [smem:$0x3FFC];
	_ =	sdelay $0x3  }
0x94: {  	_ =	strace s3  }
0x95: {  	s3 =	sld [smem:$0x3FFD];
	_ =	sdelay $0x3  }
0x96: {  	_ =	strace s3  }
0x97: {  	_ =	strace $0x8FFFFFFF  }
0x98: {  	s19 =	sld [smem:$0x3FDB];
	_ =	sdelay $0x1  }
0x99: {  	s4 =	simm.s32 $_scs_section_size  }
0x9a: {  	s5 =	simm.s32 $_size__tile_overlayer_lowered;
	s6 =	simm.s32 $_tile_overlayer_lowered  }
0x9b: {  	s22 =	simm.s32 $0x1BFF;
	s21 =	sshll.u32 s6, $0x1;
	s3 =	sadd.s32 s4, s19  }
0x9c: {  	s7 =	simm.s32 $0x0;
	s20 =	sshll.u32 s5, $0x1;
	s5 =	sadd.s32 s21, s3  }
0x9d: {  	[timem:s7], [sflag:s22] =	dma.local [hbm:s5], s20  }
0x9e: {  	_ =	swait.ge [sflag:s22], s20  }
0x9f: {  	s4 =	ssub.s32 $0x0, s20;
	[sflag:s22] =	ssyncset.done $0x0  }
0xa0: {  	[sflag:s22] =	ssyncadd.s32 s4;
	_ =	sdelay $0x1  }
0xa1: {  	s23 =	simm.s32 $0x1B8B  }
0xa2: {  	_ =	swait.ge [sflag:s23], $0x1  }
0xa3: {  	[sflag:s23] =	ssyncset.done $0x0  }
0xa4: {  	s25 =	simm.s32 $0x1B8E;
	s24 =	sld [smem:$0x3FFE];
	[sflag:s23] =	ssyncadd.s32 $0xFFFFFFFF  }
0xa5: {  	s26 =	simm.s32 $execute0_lowered;
	[smem:$0x3FD2] =	sst s25  }
0xa6: {  	s5 =	sshll.u32 s26, $0x1;
	_ =	strace $0x80000046;
	[dreg:$0x1] =	wrdreg $0xFFFFFFFF  }
0xa7: {  	s28 =	simm.s32 $_size_execute0_lowered;
	s3 =	sadd.s32 s3, s5;
	[dreg:$0x0] =	wrdreg $0x0  }
0xa8: {  	s5 =	sshll.u32 s28, $0x1;
	[dreg:$0x2] =	wrdreg s3  }
0xa9: {  	[dreg:$0x3] =	wrdreg s5  }
0xaa: {  	[dreg:$0x4] =	wrdreg $0xC0  }
0xab: {  	_ =	task [dreg:s7], $0x5FFFF  }
0xac: {  	[dreg:$0x1] =	wrdreg $0xFFFFFFFF  }
0xad: {  	[dreg:$0x0] =	wrdreg $0x60  }
0xae: {  	[dreg:$0x2] =	wrdreg s2  }
0xaf: {  	[dreg:$0x3] =	wrdreg s24  }
0xb0: {  	[dreg:$0x4] =	wrdreg $0x0  }
0xb1: {  	[dreg:$0x5] =	wrdreg $0xA  }
0xb2: {  	_ =	task.clear_ibuf [dreg:s7], $0x6FFFF;
	_ =	strace $0x90000046  }
0xb3: {  	s29 =	simm.s32 $0xA;
	_ =	strace $0x80000048  }
0xb4: {  	_ =	swait.ge [sflag:s29], $0x1  }
0xb5: {  	[sflag:s29] =	ssyncadd.s32 $0xFFFFFFFF  }
0xb6: {  	_ =	strace $0x90000048  }
0xb7: {  	_ =	sfence  }
0xb8: {  	s30 =	sld [smem:$0x0];
	_ =	sdelay $0x2  }
0xb9: {  	s31 =	sshll.u32 s1, $0xD;
	s1 =	sshrl.u32 s1, $0x2  }
0xba: {  	s3 =	sand.u32 $0x4000, s31;
	s1 =	sadd.s32 s1, s30  }
0xbb: {  	s0 =	sor.u32 s3, s0;
	s1 =	sshll.u32 s1, $0x11  }
0xbc: {  	s0 =	sor.u32 s1, s0  }
0xbd: {  	s0 =	sadd.s32 $0x8F2B, s0  }
0xbe: {  	[sflag:s0] =	ssyncadd.remote.s32 $0x1  }
0xbf: {  	_ =	sfence.sel $0xFFFF  }
0xc0: {  	[dreg:$0x0] =	wrdreg $0xFFFFFFFF;
	(pc) =	sbr.abs _section_cstart, $3  }
0xc1: {  	[dreg:$0x1] =	wrdreg $0xFFFFFFFF  }
0xc2: {  	_ =	task.clear_ibuf [dreg:s7], $0x2FFFF;
	_ =	strace $0x9FFFFFFF  }
0xc3: {  	(tm) =	ssettm $0x7FFFFFFF  }
tec
execute0_lowered:
.L_overlay_start_1:
0x0: {  	(tag) =	ssettag $0x1  }
0x1: {  	s1 =	rddreg [dreg:$0x0]  }
0x2: {  	s6 =	rddreg [dreg:$0x1]  }
0x3: {  	s2 =	rddreg [dreg:$0x2]  }
0x4: {  	s3 =	srdreg.scid;
	s0 =	rddreg [dreg:$0x3];
	s4 =	simm.s32 $0x0  }
0x5: {  	s16 =	simm.s32 $0x80;
	s17 =	simm.s32 $0x15400;
	s18 =	simm.s32 $0x1  }
0x6: {  	s19 =	simm.s32 $0x2;
	s20 =	simm.s32 $0x3;
	s7 =	sand.u32 $0x1, s3  }
0x7: {  	s21 =	simm.s32 $0x15380;
	s3 =	stileid.u32;
	s5 =	smul.u32 $0x140000, s7  }
0x8: {  	s22 =	simm.s32 $0x0;
	[smem:$0x7FF] =	sst s4;
	s8 =	smul.u32 $0x14000, s3  }
0x9: {  	s9 =	sadd.s32 $0x2200, s6;
	s10 =	sadd.s32 $0xC200, s6;
	s11 =	smul.u32 $0x50000, s3  }
0xa: {  	_ =	strace $0x80000047;
	s28 =	ssub.s32 $0x2, s7;
	s14 =	smul.u32 $0x500, s3  }
0xb: {  	p0 =	seq.s32 s7, $0x0;
	s30 =	sshll.u32 s3, $0x6;
	s13 =	sshrl.u32 s28, $0x1  }
0xc: {  	s5 =	sadd.s32 s8, s5;
	s13 =	ssub.s32 s28, s13;
	s29 =	sshrl.u32 s11, $0x2  }
0xd: {  	s7 =	sadd.s32 $0x5000, s14;
	s12 =	sshrl.u32 s5, $0x3;
	s5 =	sadd.s32 $0x16200, s6  }
.Ltmp0:
0xe: {  	s15 =	sadd.s32 s29, s2;
	s14 =	smov.u32 @p0 s7;
	(pc) =	sbr.rel .LBB2_1-.Ltmp0, $4  }
0xf: {  	s12 =	sadd.s32 s12, s6;
	s6 =	sor.u32 $0x1C04, s30;
	s7 =	sadd.s32 s9, s14  }
0x10: {  	s31 =	sadd.s32 $0x280, s14;
	s8 =	sadd.s32 s10, s14;
	s14 =	simm.s32 $0x4  }
0x11: {  	s9 =	sadd.s32 s9, s31;
	s10 =	sadd.s32 s10, s31;
	s11 =	sadd.s32 $0x18A00, s12  }
0x12: {  	s12 =	smax.u32 s13, $0x1;
	s13 =	sshrl.u32 s15, $0x3;
	s15 =	simm.s32 $0x1D400  }
.LBB2_10:
0x13: {  	s23 =	sor.u32 $0x2, s26  }
0x14: {  	[spmem:s2] =	stream.indirect.scatter.add.f32 [tilespmem:s28], [sflag:s23], $0x80, s21, s16, $0xb8;
	[tilespmem:$0x1E800] =	vst v63  }
.LBB2_13:
0x15: {  	_ =	swait.ge [sflag:s19], $0x4000  }
0x16: {  	[sflag:s19] =	ssyncset.done $0x0  }
0x17: {  	[sflag:s19] =	ssyncadd.s32 $0xFFFFC000  }
0x18: {  	_ =	swait.ge [sflag:s20], $0x4000  }
0x19: {  	s22 =	sadd.s32 $0x1, s22;
	[sflag:s20] =	ssyncset.done $0x0  }
0x1a: {  	p0 =	sne.s32 s22, s12;
	[sflag:s20] =	ssyncadd.s32 $0xFFFFC000  }
.Ltmp1:
0x1b: {  	[bflag:$0x0] =	sbarrier.arrive $0xFFFF;
	(pc) =	sbr.rel @!p0 .LBB2_14-.Ltmp1, $4  }
0x1c: {  	[hbm:s11], [sflag:s6] =	dma.local [spmem:s13], $0x2800  }
0x1d: {  	_ =	swait.ge [sflag:s14], $0x2800  }
0x1e: {  	[sflag:s14] =	ssyncset.done $0x0  }
0x1f: {  	[sflag:s14] =	ssyncadd.s32 $0xFFFFD800  }
.LBB2_1:
0x20: {  	[spmem:s13], [sflag:s6] =	dma.local [hbm:s5], $0x2800  }
0x21: {  	_ =	swait.ge [sflag:s14], $0x2800  }
0x22: {  	[sflag:s14] =	ssyncset.done $0x0  }
0x23: {  	[sflag:s14] =	ssyncadd.s32 $0xFFFFD800  }
0x24: {  	[bflag:$0x0] =	sbarrier.arrive $0xFFFF  }
0x25: {  	[tilespmem:s15], [sflag:$0x4] =	stream.linear.gather [hbm4b:s7+s4], $0x1400, $0x38;
	[tilespmem:$0x1E800] =	vst v63  }
0x26: {  	_ =	swait.ge [sflag:s14], $0x1400  }
0x27: {  	[sflag:s14] =	ssyncset.done $0x0  }
0x28: {  	s23 =	simm.s32 $0x14000;
	[sflag:s14] =	ssyncadd.s32 $0xFFFFEC00  }
0x29: {  	[tilespmem:s23], [sflag:$0x4] =	stream.linear.gather [hbm4b:s8+s4], $0x1400, $0x38;
	[tilespmem:$0x1E800] =	vst v63  }
.Ltmp2:
0x2a: {  	_ = 	snop;
	(pc) =	sbr.rel .LBB2_2-.Ltmp2, $4  }
0x2b: {  	_ =	swait.ge [sflag:s14], $0x1400  }
0x2c: {  	[sflag:s14] =	ssyncset.done $0x0  }
0x2d: {  	s24 =	simm.s32 $0x1D480;
	s25 =	simm.s32 $0x0;
	[sflag:s14] =	ssyncadd.s32 $0xFFFFEC00  }
0x2e: {  	[tilespmem:s17], [sflag:$0x1] =	stream.indirect.gather [hbm4b:s1+s16], $0x80, s15, s16, $0xb8;
	[tilespmem:$0x1E800] =	vst v63  }
.LBB2_6:
0x2f: {  	s25 =	sadd.s32 $0x1, s25  }
0x30: {  	p0 =	sne.s32 s25, $0x28  }
.Ltmp3:
0x31: {  	s29 =	ssub.s32 $0x19400, s29;
	(pc) =	sbr.rel @!p0 .LBB2_7-.Ltmp3, $4  }
0x32: {  	[tilespmem:s29], [sflag:$0x1] =	stream.indirect.gather [hbm4b:s1+s16], $0x80, s24, s16, $0xb8;
	[tilespmem:$0x1E800] =	vst v63  }
0x33: {  	s26 =	sor.u32 $0x2, s26  }
0x34: {  	[spmem:s2] =	stream.indirect.scatter.add.f32 [tilespmem:s28], [sflag:s26], $0x80, s23, s16, $0xb8;
	[tilespmem:$0x1E800] =	vst v63  }
0x35: {  	s24 =	sadd.s32 $0x80, s24;
	s23 =	sadd.s32 $0x80, s23  }
.LBB2_2:
0x36: {  	p0 =	seq.s32 s25, $0x0  }
.Ltmp4:
0x37: {  	_ = 	snop;
	(pc) =	sbr.rel @p0 .LBB2_6-.Ltmp4, $4  }
0x38: {  	_ = 	snop  }
0x39: {  	s26 =	sand.u32 $0x1, s25;
	_ =	swait.ge [sflag:s18], $0x4000  }
0x3a: {  	s29 =	sshll.u32 s26, $0xE;
	[sflag:s18] =	ssyncset.done $0x0  }
0x3b: {  	s28 =	sadd.s32 $0x15400, s29;
	[sflag:s18] =	ssyncadd.s32 $0xFFFFC000  }
0x3c: {  	p0 =	sne.s32 s25, $0x27  }
.Ltmp5:
0x3d: {  	_ = 	snop;
	(pc) =	sbr.rel @!p0 .LBB2_4-.Ltmp5, $1  }
0x3e: {  	_ =	sdelay $0x3  }
.Ltmp6:
0x3f: {  	s30 =	sxor.u32 $0x1, s26;
	(pc) =	sbr.rel .LBB2_6-.Ltmp6, $4  }
0x40: {  	s30 =	sor.u32 $0x2, s30  }
0x41: {  	_ =	swait.ge [sflag:s30], $0x4000  }
0x42: {  	[sflag:s30] =	ssyncset.done $0x0  }
0x43: {  	[sflag:s30] =	ssyncadd.s32 $0xFFFFC000  }
.LBB2_4:
0x44: {  	s23 =	sor.u32 $0x2, s26  }
0x45: {  	[spmem:s2] =	stream.indirect.scatter.add.f32 [tilespmem:s28], [sflag:s23], $0x80, s21, s16, $0xb8;
	[tilespmem:$0x1E800] =	vst v63  }
.LBB2_7:
0x46: {  	_ =	swait.ge [sflag:s19], $0x4000  }
0x47: {  	[sflag:s19] =	ssyncset.done $0x0  }
0x48: {  	[sflag:s19] =	ssyncadd.s32 $0xFFFFC000  }
0x49: {  	_ =	swait.ge [sflag:s20], $0x4000  }
0x4a: {  	[sflag:s20] =	ssyncset.done $0x0  }
0x4b: {  	s23 =	simm.s32 $0x0;
	[sflag:s20] =	ssyncadd.s32 $0xFFFFC000  }
0x4c: {  	[tilespmem:s15], [sflag:$0x4] =	stream.linear.gather [hbm4b:s9+s23], $0x1400, $0x38;
	[tilespmem:$0x1E800] =	vst v63  }
0x4d: {  	_ =	swait.ge [sflag:s14], $0x1400  }
0x4e: {  	[sflag:s14] =	ssyncset.done $0x0  }
0x4f: {  	s24 =	simm.s32 $0x14000;
	[sflag:s14] =	ssyncadd.s32 $0xFFFFEC00  }
0x50: {  	[tilespmem:s24], [sflag:$0x4] =	stream.linear.gather [hbm4b:s10+s23], $0x1400, $0x38;
	[tilespmem:$0x1E800] =	vst v63  }
.Ltmp7:
0x51: {  	_ = 	snop;
	(pc) =	sbr.rel .LBB2_8-.Ltmp7, $4  }
0x52: {  	_ =	swait.ge [sflag:s14], $0x1400  }
0x53: {  	[sflag:s14] =	ssyncset.done $0x0  }
0x54: {  	s25 =	simm.s32 $0x1D480;
	[sflag:s14] =	ssyncadd.s32 $0xFFFFEC00  }
0x55: {  	[tilespmem:s17], [sflag:$0x1] =	stream.indirect.gather [hbm4b:s1+s16], $0x80, s15, s16, $0xb8;
	[tilespmem:$0x1E800] =	vst v63  }
.LBB2_12:
0x56: {  	s23 =	sadd.s32 $0x1, s23  }
0x57: {  	p0 =	sne.s32 s23, $0x28  }
.Ltmp8:
0x58: {  	s29 =	ssub.s32 $0x19400, s29;
	(pc) =	sbr.rel @!p0 .LBB2_13-.Ltmp8, $4  }
0x59: {  	[tilespmem:s29], [sflag:$0x1] =	stream.indirect.gather [hbm4b:s1+s16], $0x80, s25, s16, $0xb8;
	[tilespmem:$0x1E800] =	vst v63  }
0x5a: {  	s26 =	sor.u32 $0x2, s26  }
0x5b: {  	[spmem:s2] =	stream.indirect.scatter.add.f32 [tilespmem:s28], [sflag:s26], $0x80, s24, s16, $0xb8;
	[tilespmem:$0x1E800] =	vst v63  }
0x5c: {  	s25 =	sadd.s32 $0x80, s25;
	s24 =	sadd.s32 $0x80, s24  }
.LBB2_8:
0x5d: {  	p0 =	seq.s32 s23, $0x0  }
.Ltmp9:
0x5e: {  	_ = 	snop;
	(pc) =	sbr.rel @p0 .LBB2_12-.Ltmp9, $4  }
0x5f: {  	_ = 	snop  }
0x60: {  	s26 =	sand.u32 $0x1, s23;
	_ =	swait.ge [sflag:s18], $0x4000  }
0x61: {  	s29 =	sshll.u32 s26, $0xE;
	[sflag:s18] =	ssyncset.done $0x0  }
0x62: {  	s28 =	sadd.s32 $0x15400, s29;
	[sflag:s18] =	ssyncadd.s32 $0xFFFFC000  }
0x63: {  	p0 =	sne.s32 s23, $0x27  }
.Ltmp10:
0x64: {  	_ = 	snop;
	(pc) =	sbr.rel @!p0 .LBB2_10-.Ltmp10, $1  }
0x65: {  	_ =	sdelay $0x3  }
.Ltmp11:
0x66: {  	s30 =	sxor.u32 $0x1, s26;
	(pc) =	sbr.rel .LBB2_12-.Ltmp11, $4  }
0x67: {  	s30 =	sor.u32 $0x2, s30  }
0x68: {  	_ =	swait.ge [sflag:s30], $0x4000  }
0x69: {  	[sflag:s30] =	ssyncset.done $0x0  }
0x6a: {  	[sflag:s30] =	ssyncadd.s32 $0xFFFFC000  }
.LBB2_14:
0x6b: {  	_ =	sfence.sel $0x180000  }
0x6c: {  	[bflag:$0x0] =	sbarrier.arrive $0xFFFF  }
0x6d: {  	p0 =	sne.s32 s3, $0x0;
	_ =	strace $0x90000047  }
0x6e: {  	s0 =	sadd.s32 @!p0 $0x100000, s0;
	[bflag:$0x2] =	sbarrier.arrive $0xFFFF  }
0x6f: {  	[sflag:s0] =	ssyncadd.tile.s32 @!p0 $0x1;
	_ =	shalt  }
.Lfunc_end2:
_tile_overlayer_lowered:
.L_overlay_start_2:
0x70: {  	(tag) =	ssettag $0x2  }
0x71: {  	s0 =	rddreg [dreg:$0x0];
	s2 =	stileid.u32  }
0x72: {  	s1 =	rddreg [dreg:$0x1];
	p0 =	sne.s32 s2, $0x0  }
0x73: {  	s3 =	rddreg [dreg:$0x2];
	[bflag:$0x3] =	sbarrier.arrive $0xFFFF;
	s2 =	simm.s32 @!p0 $0x1C04  }
0x74: {  	[timem:s3], [sflag:s2] =	dma.local @!p0 [hbm:s0], s1  }
0x75: {  	s0 =	simm.s32 @!p0 $0x4  }
0x76: {  	_ =	swait.ge @!p0 [sflag:s0], s1  }
0x77: {  	s1 =	ssub.s32 @!p0 $0x0, s1;
	[sflag:s0] =	ssyncset.done @!p0 $0x0  }
0x78: {  	[sflag:s0] =	ssyncadd.s32 @!p0 s1  }
0x79: {  	[bflag:$0x3] =	sbarrier.arrive $0xFFFF  }
0x7a: {  	_ =	shalt  }

// kernel: kernel.13.cloned.1.call-start
scs
__scs_entry_jumppad:
0x0: {  	(pc) =	sbr.rel $0x88, $3  }
0x1: {  	(tag) =	ssettag $0x0;
	lr =	simm.s32 $0x1  }
0x2: {  	[smem:$0x3F99] =	sst lr;
	_ =	strace $0xD0000000  }
0x3: {  	_ = 	snop  }
0x4: {  	_ = 	snop  }
0x5: {  	_ = 	snop  }
0x6: {  	_ = 	snop  }
0x7: {  	_ = 	snop  }
__scs_overlays_trampoline_lowered:
0x8: {  	[smem:$0x3FA8] =	sst s0  }
0x9: {  	[smem:$0x3FA9] =	sst s1  }
0xa: {  	[smem:$0x3FAA] =	sst s2  }
0xb: {  	[smem:$0x3FAB] =	sst s3  }
0xc: {  	[smem:$0x3FAC] =	sst s4  }
0xd: {  	[smem:$0x3FAD] =	sst s5  }
0xe: {  	[smem:$0x3FAE] =	sst s6  }
0xf: {  	[smem:$0x3FAF] =	sst s7  }
0x10: {  	[smem:$0x3FB0] =	sst s8  }
0x11: {  	[smem:$0x3FB1] =	sst s9;
	s0 =	simm.s32 @!p0 $0x0  }
0x12: {  	s1 =	sld [smem:$0x3F97];
	s0 =	simm.s32 @p0 $0x1  }
0x13: {  	[smem:$0x3FB2] =	sst s0;
	s0 =	simm.s32 @!p1 $0x0  }
0x14: {  	s2 =	sld [smem:$0x3F96];
	s0 =	simm.s32 @p1 $0x1  }
0x15: {  	[smem:$0x3FB3] =	sst s0;
	s0 =	simm.s32 @!p2 $0x0  }
0x16: {  	s3 =	sld [smem:$0x3FDB];
	s0 =	simm.s32 @p2 $0x1  }
0x17: {  	s4 =	simm.s32 $0x1BF5;
	[smem:$0x3FB5] =	sst s0  }
0x18: {  	s0 =	sld [smem:$0x3F98];
	_ =	swait.ge [sflag:s4], $0x0  }
0x19: {  	s7 =	sld [smem:$0x3F99]  }
0x1a: {  	s8 =	sadd.s32 $0xFFFFE003, lr  }
0x1b: {  	s9 =	sadd.s32 $0xFFFFFEF7, lr;
	s5 =	simm.s32 $0xFFFFFFFF;
	p2 =	slt.u32 s8, $0xFFFFF086  }
0x1c: {  	p1 =	slt.u32 s9, $0xF7A;
	s5 =	simm.s32 @!p2 $0x0  }
0x1d: {  	s5 =	simm.s32 @p1 $0x1;
	p0 =	seq.s32 s7, s2  }
0x1e: {  	s7 =	smul.u32 @!p0 $0xF7A, s2;
	p2 =	seq.s32 @!p0 s5, $0x0  }
0x1f: {  	s9 =	smul.u32 $0xF7A, s1;
	s8 =	simm.s32 @!p0 $0x1BF5;
	p2 =	por !p2, p0  }
0x20: {  	[sflag:s8] =	ssyncset.s32 @!p0 $0xFFFFF086;
	s6 =	sadd.s32 @!p0 s3, s7;
	s7 =	simm.s32 @!p0 $0x108  }
0x21: {  	s3 =	sadd.s32 s3, s9;
	s6 =	sadd.s32 @!p0 $0x88, s6;
	s7 =	simm.s32 @p2 $0x1082  }
0x22: {  	[simem:s7], [sflag:s8] =	dma.local @!p0 [hbm:s6], $0xF7A  }
0x23: {  	s9 =	sor.u32 $0xD0000000, s2;
	s6 =	simm.s32 $0x108;
	_ =	swait.ge @!p0 [sflag:s8], $0x0  }
0x24: {  	s3 =	sadd.s32 $0x88, s3;
	s6 =	simm.s32 @!p1 $0x1082;
	[sflag:s4] =	ssyncset.s32 $0xFFFFF086  }
0x25: {  	[simem:s6], [sflag:s4] =	dma.local [hbm:s3], $0xF7A  }
0x26: {  	[smem:$0x3F99] =	sst s1;
	(tag) =	ssettag s2;
	_ =	strace s9  }
0x27: {  	s1 =	sld [smem:$0x3FA9]  }
0x28: {  	s2 =	sld [smem:$0x3FAA]  }
0x29: {  	s4 =	sld [smem:$0x3FAC]  }
0x2a: {  	p0 =	seq.s32 s5, $0x0;
	s5 =	sld [smem:$0x3FAD]  }
0x2b: {  	s6 =	sld [smem:$0x3FAE]  }
0x2c: {  	s7 =	sld [smem:$0x3FAF]  }
0x2d: {  	s3 =	simm.s32 $0x108;
	s8 =	sld [smem:$0x3FB0]  }
0x2e: {  	s3 =	simm.s32 @!p0 $0x1082;
	s9 =	sld [smem:$0x3FB1]  }
0x2f: {  	lr =	sadd.s32 s0, s3;
	s0 =	sld [smem:$0x3FA8]  }
0x30: {  	s3 =	sld [smem:$0x3FAB]  }
0x31: {  	[smem:$0x3FB4] =	sst s10  }
0x32: {  	s10 =	sld [smem:$0x3FB2];
	_ =	sdelay $0x3  }
0x33: {  	p0 =	seq.s32 s10, $0x1;
	s10 =	sld [smem:$0x3FB4];
	_ =	sdelay $0x3  }
0x34: {  	[smem:$0x3FB4] =	sst s10  }
0x35: {  	s10 =	sld [smem:$0x3FB3];
	_ =	sdelay $0x3  }
0x36: {  	p1 =	seq.s32 s10, $0x1;
	s10 =	sld [smem:$0x3FB4];
	_ =	sdelay $0x3  }
0x37: {  	[smem:$0x3FB4] =	sst s10  }
0x38: {  	s10 =	sld [smem:$0x3FB5]  }
0x39: {  	_ = 	snop;
	(pc) =	sbr.ind lr, $3  }
0x3a: {  	_ = 	snop  }
0x3b: {  	_ = 	snop  }
0x3c: {  	p2 =	seq.s32 s10, $0x1;
	s10 =	sld [smem:$0x3FB4]  }
0x3d: {  	_ =	shalt  }
0x3e: {  	_ =	shalt  }
0x3f: {  	_ =	shalt  }
0x40: {  	_ =	shalt  }
0x41: {  	_ =	shalt  }
0x42: {  	_ =	shalt  }
0x43: {  	_ =	shalt  }
0x44: {  	_ =	shalt  }
0x45: {  	_ =	shalt  }
0x46: {  	_ =	shalt  }
0x47: {  	_ =	shalt  }
0x48: {  	_ =	shalt  }
0x49: {  	_ =	shalt  }
0x4a: {  	_ =	shalt  }
0x4b: {  	_ =	shalt  }
0x4c: {  	_ =	shalt  }
0x4d: {  	_ =	shalt  }
0x4e: {  	_ =	shalt  }
0x4f: {  	_ =	shalt  }
0x50: {  	_ =	shalt  }
0x51: {  	_ =	shalt  }
0x52: {  	_ =	shalt  }
0x53: {  	_ =	shalt  }
0x54: {  	_ =	shalt  }
0x55: {  	_ =	shalt  }
0x56: {  	_ =	shalt  }
0x57: {  	_ =	shalt  }
0x58: {  	_ =	shalt  }
0x59: {  	_ =	shalt  }
0x5a: {  	_ =	shalt  }
0x5b: {  	_ =	shalt  }
0x5c: {  	_ =	shalt  }
0x5d: {  	_ =	shalt  }
0x5e: {  	_ =	shalt  }
0x5f: {  	_ =	shalt  }
0x60: {  	_ =	shalt  }
0x61: {  	_ =	shalt  }
0x62: {  	_ =	shalt  }
0x63: {  	_ =	shalt  }
0x64: {  	_ =	shalt  }
0x65: {  	_ =	shalt  }
0x66: {  	_ =	shalt  }
0x67: {  	_ =	shalt  }
0x68: {  	_ =	shalt  }
0x69: {  	_ =	shalt  }
0x6a: {  	_ =	shalt  }
0x6b: {  	_ =	shalt  }
0x6c: {  	_ =	shalt  }
0x6d: {  	_ =	shalt  }
0x6e: {  	_ =	shalt  }
0x6f: {  	_ =	shalt  }
0x70: {  	_ =	shalt  }
0x71: {  	_ =	shalt  }
0x72: {  	_ =	shalt  }
0x73: {  	_ =	shalt  }
0x74: {  	_ =	shalt  }
0x75: {  	_ =	shalt  }
0x76: {  	_ =	shalt  }
0x77: {  	_ =	shalt  }
0x78: {  	_ =	shalt  }
0x79: {  	_ =	shalt  }
0x7a: {  	_ =	shalt  }
0x7b: {  	_ =	shalt  }
0x7c: {  	_ =	shalt  }
0x7d: {  	_ =	shalt  }
0x7e: {  	_ =	shalt  }
0x7f: {  	_ =	shalt  }
0x80: {  	_ =	shalt  }
0x81: {  	_ =	shalt  }
0x82: {  	_ =	shalt  }
0x83: {  	_ =	shalt  }
0x84: {  	_ =	shalt  }
0x85: {  	_ =	shalt  }
0x86: {  	_ =	shalt  }
0x87: {  	_ =	shalt  }
.Lfunc_end0:
.L_simem_size_0:
called_computation.2_lowered:
.L_overlay_start_0:
0x88: {  	s2 =	sld [smem:$0x3FD9]  }
0x89: {  	s3 =	sld [smem:$0x3FFE];
	_ =	sdelay $0x1  }
0x8a: {  	s1 =	srdreg.scid  }
0x8b: {  	s0 =	sand.u32 $0x1, s1  }
0x8c: {  	s17 =	sshll.u32 s0, $0xA;
	s2 =	sadd.s32 s3, s2  }
0x8d: {  	s2 =	sadd.s32 s2, s17  }
0x8e: {  	[smem:$0x3FC0] =	sst s2  }
0x8f: {  	_ = 	snop  }
0x90: {  	s2 =	sld [smem:$0x3FD0];
	(tm) =	ssettm $0x1  }
0x91: {  	s18 =	sld [smem:$0x3FFB];
	_ =	sdelay $0x3  }
0x92: {  	_ =	strace s18  }
0x93: {  	s3 =	sld [smem:$0x3FFC];
	_ =	sdelay $0x3  }
0x94: {  	_ =	strace s3  }
0x95: {  	s3 =	sld [smem:$0x3FFD];
	_ =	sdelay $0x3  }
0x96: {  	_ =	strace s3  }
0x97: {  	_ =	strace $0x8FFFFFFF  }
0x98: {  	s19 =	sld [smem:$0x3FDB];
	_ =	sdelay $0x1  }
0x99: {  	s4 =	simm.s32 $_scs_section_size  }
0x9a: {  	s5 =	simm.s32 $_size__tile_overlayer_lowered;
	s6 =	simm.s32 $_tile_overlayer_lowered  }
0x9b: {  	s22 =	simm.s32 $0x1BFF;
	s21 =	sshll.u32 s6, $0x1;
	s3 =	sadd.s32 s4, s19  }
0x9c: {  	s7 =	simm.s32 $0x0;
	s20 =	sshll.u32 s5, $0x1;
	s5 =	sadd.s32 s21, s3  }
0x9d: {  	[timem:s7], [sflag:s22] =	dma.local [hbm:s5], s20  }
0x9e: {  	_ =	swait.ge [sflag:s22], s20  }
0x9f: {  	s4 =	ssub.s32 $0x0, s20;
	[sflag:s22] =	ssyncset.done $0x0  }
0xa0: {  	[sflag:s22] =	ssyncadd.s32 s4;
	_ =	sdelay $0x1  }
0xa1: {  	s23 =	simm.s32 $0x1B8B  }
0xa2: {  	_ =	swait.ge [sflag:s23], $0x1  }
0xa3: {  	[sflag:s23] =	ssyncset.done $0x0  }
0xa4: {  	s25 =	simm.s32 $0x1B8E;
	s24 =	sld [smem:$0x3FFE];
	[sflag:s23] =	ssyncadd.s32 $0xFFFFFFFF  }
0xa5: {  	s26 =	simm.s32 $execute0_lowered;
	[smem:$0x3FD2] =	sst s25  }
0xa6: {  	s5 =	sshll.u32 s26, $0x1;
	_ =	strace $0x8000004C;
	[dreg:$0x1] =	wrdreg $0xFFFFFFFF  }
0xa7: {  	s28 =	simm.s32 $_size_execute0_lowered;
	s3 =	sadd.s32 s3, s5;
	[dreg:$0x0] =	wrdreg $0x0  }
0xa8: {  	s5 =	sshll.u32 s28, $0x1;
	[dreg:$0x2] =	wrdreg s3  }
0xa9: {  	[dreg:$0x3] =	wrdreg s5  }
0xaa: {  	[dreg:$0x4] =	wrdreg $0xC0  }
0xab: {  	_ =	task [dreg:s7], $0x5FFFF  }
0xac: {  	[dreg:$0x1] =	wrdreg $0xFFFFFFFF  }
0xad: {  	[dreg:$0x0] =	wrdreg $0x60  }
0xae: {  	[dreg:$0x2] =	wrdreg s2  }
0xaf: {  	[dreg:$0x3] =	wrdreg s24  }
0xb0: {  	[dreg:$0x4] =	wrdreg $0x0  }
0xb1: {  	[dreg:$0x5] =	wrdreg $0x9  }
0xb2: {  	_ =	task.clear_ibuf [dreg:s7], $0x6FFFF;
	_ =	strace $0x9000004C  }
0xb3: {  	s29 =	simm.s32 $0x9;
	_ =	strace $0x8000004E  }
0xb4: {  	_ =	swait.ge [sflag:s29], $0x1  }
0xb5: {  	[sflag:s29] =	ssyncadd.s32 $0xFFFFFFFF  }
0xb6: {  	_ =	strace $0x9000004E  }
0xb7: {  	_ =	sfence  }
0xb8: {  	s30 =	sld [smem:$0x0];
	_ =	sdelay $0x2  }
0xb9: {  	s31 =	sshll.u32 s1, $0xD;
	s1 =	sshrl.u32 s1, $0x2  }
0xba: {  	s3 =	sand.u32 $0x4000, s31;
	s1 =	sadd.s32 s1, s30  }
0xbb: {  	s0 =	sor.u32 s3, s0;
	s1 =	sshll.u32 s1, $0x11  }
0xbc: {  	s0 =	sor.u32 s1, s0  }
0xbd: {  	s0 =	sadd.s32 $0x8F2B, s0  }
0xbe: {  	[sflag:s0] =	ssyncadd.remote.s32 $0x1  }
0xbf: {  	_ =	sfence.sel $0xFFFF  }
0xc0: {  	[dreg:$0x0] =	wrdreg $0xFFFFFFFF;
	(pc) =	sbr.abs _section_cstart, $3  }
0xc1: {  	[dreg:$0x1] =	wrdreg $0xFFFFFFFF  }
0xc2: {  	_ =	task.clear_ibuf [dreg:s7], $0x2FFFF;
	_ =	strace $0x9FFFFFFF  }
0xc3: {  	(tm) =	ssettm $0x7FFFFFFF  }
tec
execute0_lowered:
.L_overlay_start_1:
0x0: {  	(tag) =	ssettag $0x1  }
0x1: {  	s1 =	rddreg [dreg:$0x0]  }
0x2: {  	s6 =	rddreg [dreg:$0x1]  }
0x3: {  	s2 =	rddreg [dreg:$0x2]  }
0x4: {  	s3 =	srdreg.scid;
	s0 =	rddreg [dreg:$0x3];
	s4 =	simm.s32 $0x0  }
0x5: {  	s16 =	simm.s32 $0x80;
	s17 =	simm.s32 $0x15400;
	s18 =	simm.s32 $0x1  }
0x6: {  	s19 =	simm.s32 $0x2;
	s20 =	simm.s32 $0x3;
	s7 =	sand.u32 $0x1, s3  }
0x7: {  	s21 =	simm.s32 $0x15380;
	s3 =	stileid.u32;
	s5 =	smul.u32 $0x140000, s7  }
0x8: {  	s22 =	simm.s32 $0x0;
	[smem:$0x7FF] =	sst s4;
	s8 =	smul.u32 $0x14000, s3  }
0x9: {  	s9 =	sadd.s32 $0x2200, s6;
	s10 =	sadd.s32 $0xC200, s6;
	s11 =	smul.u32 $0x50000, s3  }
0xa: {  	_ =	strace $0x8000004D;
	s28 =	ssub.s32 $0x2, s7;
	s14 =	smul.u32 $0x500, s3  }
0xb: {  	p0 =	seq.s32 s7, $0x0;
	s30 =	sshll.u32 s3, $0x6;
	s13 =	sshrl.u32 s28, $0x1  }
0xc: {  	s5 =	sadd.s32 s8, s5;
	s13 =	ssub.s32 s28, s13;
	s29 =	sshrl.u32 s11, $0x2  }
0xd: {  	s7 =	sadd.s32 $0x5000, s14;
	s12 =	sshrl.u32 s5, $0x3;
	s5 =	sadd.s32 $0x16200, s6  }
.Ltmp0:
0xe: {  	s15 =	sadd.s32 s29, s2;
	s14 =	smov.u32 @p0 s7;
	(pc) =	sbr.rel .LBB2_1-.Ltmp0, $4  }
0xf: {  	s12 =	sadd.s32 s12, s6;
	s6 =	sor.u32 $0x1C04, s30;
	s7 =	sadd.s32 s9, s14  }
0x10: {  	s31 =	sadd.s32 $0x280, s14;
	s8 =	sadd.s32 s10, s14;
	s14 =	simm.s32 $0x4  }
0x11: {  	s9 =	sadd.s32 s9, s31;
	s10 =	sadd.s32 s10, s31;
	s11 =	sadd.s32 $0x18A00, s12  }
0x12: {  	s12 =	smax.u32 s13, $0x1;
	s13 =	sshrl.u32 s15, $0x3;
	s15 =	simm.s32 $0x1D400  }
.LBB2_10:
0x13: {  	s23 =	sor.u32 $0x2, s26  }
0x14: {  	[spmem:s2] =	stream.indirect.scatter.add.f32 [tilespmem:s28], [sflag:s23], $0x80, s21, s16, $0xb8;
	[tilespmem:$0x1E800] =	vst v63  }
.LBB2_13:
0x15: {  	_ =	swait.ge [sflag:s19], $0x4000  }
0x16: {  	[sflag:s19] =	ssyncset.done $0x0  }
0x17: {  	[sflag:s19] =	ssyncadd.s32 $0xFFFFC000  }
0x18: {  	_ =	swait.ge [sflag:s20], $0x4000  }
0x19: {  	s22 =	sadd.s32 $0x1, s22;
	[sflag:s20] =	ssyncset.done $0x0  }
0x1a: {  	p0 =	sne.s32 s22, s12;
	[sflag:s20] =	ssyncadd.s32 $0xFFFFC000  }
.Ltmp1:
0x1b: {  	[bflag:$0x0] =	sbarrier.arrive $0xFFFF;
	(pc) =	sbr.rel @!p0 .LBB2_14-.Ltmp1, $4  }
0x1c: {  	[hbm:s11], [sflag:s6] =	dma.local [spmem:s13], $0x2800  }
0x1d: {  	_ =	swait.ge [sflag:s14], $0x2800  }
0x1e: {  	[sflag:s14] =	ssyncset.done $0x0  }
0x1f: {  	[sflag:s14] =	ssyncadd.s32 $0xFFFFD800  }
.LBB2_1:
0x20: {  	[spmem:s13], [sflag:s6] =	dma.local [hbm:s5], $0x2800  }
0x21: {  	_ =	swait.ge [sflag:s14], $0x2800  }
0x22: {  	[sflag:s14] =	ssyncset.done $0x0  }
0x23: {  	[sflag:s14] =	ssyncadd.s32 $0xFFFFD800  }
0x24: {  	[bflag:$0x0] =	sbarrier.arrive $0xFFFF  }
0x25: {  	[tilespmem:s15], [sflag:$0x4] =	stream.linear.gather [hbm4b:s7+s4], $0x1400, $0x38;
	[tilespmem:$0x1E800] =	vst v63  }
0x26: {  	_ =	swait.ge [sflag:s14], $0x1400  }
0x27: {  	[sflag:s14] =	ssyncset.done $0x0  }
0x28: {  	s23 =	simm.s32 $0x14000;
	[sflag:s14] =	ssyncadd.s32 $0xFFFFEC00  }
0x29: {  	[tilespmem:s23], [sflag:$0x4] =	stream.linear.gather [hbm4b:s8+s4], $0x1400, $0x38;
	[tilespmem:$0x1E800] =	vst v63  }
.Ltmp2:
0x2a: {  	_ = 	snop;
	(pc) =	sbr.rel .LBB2_2-.Ltmp2, $4  }
0x2b: {  	_ =	swait.ge [sflag:s14], $0x1400  }
0x2c: {  	[sflag:s14] =	ssyncset.done $0x0  }
0x2d: {  	s24 =	simm.s32 $0x1D480;
	s25 =	simm.s32 $0x0;
	[sflag:s14] =	ssyncadd.s32 $0xFFFFEC00  }
0x2e: {  	[tilespmem:s17], [sflag:$0x1] =	stream.indirect.gather [hbm4b:s1+s16], $0x80, s15, s16, $0xb8;
	[tilespmem:$0x1E800] =	vst v63  }
.LBB2_6:
0x2f: {  	s25 =	sadd.s32 $0x1, s25  }
0x30: {  	p0 =	sne.s32 s25, $0x28  }
.Ltmp3:
0x31: {  	s29 =	ssub.s32 $0x19400, s29;
	(pc) =	sbr.rel @!p0 .LBB2_7-.Ltmp3, $4  }
0x32: {  	[tilespmem:s29], [sflag:$0x1] =	stream.indirect.gather [hbm4b:s1+s16], $0x80, s24, s16, $0xb8;
	[tilespmem:$0x1E800] =	vst v63  }
0x33: {  	s26 =	sor.u32 $0x2, s26  }
0x34: {  	[spmem:s2] =	stream.indirect.scatter.add.f32 [tilespmem:s28], [sflag:s26], $0x80, s23, s16, $0xb8;
	[tilespmem:$0x1E800] =	vst v63  }
0x35: {  	s24 =	sadd.s32 $0x80, s24;
	s23 =	sadd.s32 $0x80, s23  }
.LBB2_2:
0x36: {  	p0 =	seq.s32 s25, $0x0  }
.Ltmp4:
0x37: {  	_ = 	snop;
	(pc) =	sbr.rel @p0 .LBB2_6-.Ltmp4, $4  }
0x38: {  	_ = 	snop  }
0x39: {  	s26 =	sand.u32 $0x1, s25;
	_ =	swait.ge [sflag:s18], $0x4000  }
0x3a: {  	s29 =	sshll.u32 s26, $0xE;
	[sflag:s18] =	ssyncset.done $0x0  }
0x3b: {  	s28 =	sadd.s32 $0x15400, s29;
	[sflag:s18] =	ssyncadd.s32 $0xFFFFC000  }
0x3c: {  	p0 =	sne.s32 s25, $0x27  }
.Ltmp5:
0x3d: {  	_ = 	snop;
	(pc) =	sbr.rel @!p0 .LBB2_4-.Ltmp5, $1  }
0x3e: {  	_ =	sdelay $0x3  }
.Ltmp6:
0x3f: {  	s30 =	sxor.u32 $0x1, s26;
	(pc) =	sbr.rel .LBB2_6-.Ltmp6, $4  }
0x40: {  	s30 =	sor.u32 $0x2, s30  }
0x41: {  	_ =	swait.ge [sflag:s30], $0x4000  }
0x42: {  	[sflag:s30] =	ssyncset.done $0x0  }
0x43: {  	[sflag:s30] =	ssyncadd.s32 $0xFFFFC000  }
.LBB2_4:
0x44: {  	s23 =	sor.u32 $0x2, s26  }
0x45: {  	[spmem:s2] =	stream.indirect.scatter.add.f32 [tilespmem:s28], [sflag:s23], $0x80, s21, s16, $0xb8;
	[tilespmem:$0x1E800] =	vst v63  }
.LBB2_7:
0x46: {  	_ =	swait.ge [sflag:s19], $0x4000  }
0x47: {  	[sflag:s19] =	ssyncset.done $0x0  }
0x48: {  	[sflag:s19] =	ssyncadd.s32 $0xFFFFC000  }
0x49: {  	_ =	swait.ge [sflag:s20], $0x4000  }
0x4a: {  	[sflag:s20] =	ssyncset.done $0x0  }
0x4b: {  	s23 =	simm.s32 $0x0;
	[sflag:s20] =	ssyncadd.s32 $0xFFFFC000  }
0x4c: {  	[tilespmem:s15], [sflag:$0x4] =	stream.linear.gather [hbm4b:s9+s23], $0x1400, $0x38;
	[tilespmem:$0x1E800] =	vst v63  }
0x4d: {  	_ =	swait.ge [sflag:s14], $0x1400  }
0x4e: {  	[sflag:s14] =	ssyncset.done $0x0  }
0x4f: {  	s24 =	simm.s32 $0x14000;
	[sflag:s14] =	ssyncadd.s32 $0xFFFFEC00  }
0x50: {  	[tilespmem:s24], [sflag:$0x4] =	stream.linear.gather [hbm4b:s10+s23], $0x1400, $0x38;
	[tilespmem:$0x1E800] =	vst v63  }
.Ltmp7:
0x51: {  	_ = 	snop;
	(pc) =	sbr.rel .LBB2_8-.Ltmp7, $4  }
0x52: {  	_ =	swait.ge [sflag:s14], $0x1400  }
0x53: {  	[sflag:s14] =	ssyncset.done $0x0  }
0x54: {  	s25 =	simm.s32 $0x1D480;
	[sflag:s14] =	ssyncadd.s32 $0xFFFFEC00  }
0x55: {  	[tilespmem:s17], [sflag:$0x1] =	stream.indirect.gather [hbm4b:s1+s16], $0x80, s15, s16, $0xb8;
	[tilespmem:$0x1E800] =	vst v63  }
.LBB2_12:
0x56: {  	s23 =	sadd.s32 $0x1, s23  }
0x57: {  	p0 =	sne.s32 s23, $0x28  }
.Ltmp8:
0x58: {  	s29 =	ssub.s32 $0x19400, s29;
	(pc) =	sbr.rel @!p0 .LBB2_13-.Ltmp8, $4  }
0x59: {  	[tilespmem:s29], [sflag:$0x1] =	stream.indirect.gather [hbm4b:s1+s16], $0x80, s25, s16, $0xb8;
	[tilespmem:$0x1E800] =	vst v63  }
0x5a: {  	s26 =	sor.u32 $0x2, s26  }
0x5b: {  	[spmem:s2] =	stream.indirect.scatter.add.f32 [tilespmem:s28], [sflag:s26], $0x80, s24, s16, $0xb8;
	[tilespmem:$0x1E800] =	vst v63  }
0x5c: {  	s25 =	sadd.s32 $0x80, s25;
	s24 =	sadd.s32 $0x80, s24  }
.LBB2_8:
0x5d: {  	p0 =	seq.s32 s23, $0x0  }
.Ltmp9:
0x5e: {  	_ = 	snop;
	(pc) =	sbr.rel @p0 .LBB2_12-.Ltmp9, $4  }
0x5f: {  	_ = 	snop  }
0x60: {  	s26 =	sand.u32 $0x1, s23;
	_ =	swait.ge [sflag:s18], $0x4000  }
0x61: {  	s29 =	sshll.u32 s26, $0xE;
	[sflag:s18] =	ssyncset.done $0x0  }
0x62: {  	s28 =	sadd.s32 $0x15400, s29;
	[sflag:s18] =	ssyncadd.s32 $0xFFFFC000  }
0x63: {  	p0 =	sne.s32 s23, $0x27  }
.Ltmp10:
0x64: {  	_ = 	snop;
	(pc) =	sbr.rel @!p0 .LBB2_10-.Ltmp10, $1  }
0x65: {  	_ =	sdelay $0x3  }
.Ltmp11:
0x66: {  	s30 =	sxor.u32 $0x1, s26;
	(pc) =	sbr.rel .LBB2_12-.Ltmp11, $4  }
0x67: {  	s30 =	sor.u32 $0x2, s30  }
0x68: {  	_ =	swait.ge [sflag:s30], $0x4000  }
0x69: {  	[sflag:s30] =	ssyncset.done $0x0  }
0x6a: {  	[sflag:s30] =	ssyncadd.s32 $0xFFFFC000  }
.LBB2_14:
0x6b: {  	_ =	sfence.sel $0x180000  }
0x6c: {  	[bflag:$0x0] =	sbarrier.arrive $0xFFFF  }
0x6d: {  	p0 =	sne.s32 s3, $0x0;
	_ =	strace $0x9000004D  }
0x6e: {  	s0 =	sadd.s32 @!p0 $0x100000, s0;
	[bflag:$0x2] =	sbarrier.arrive $0xFFFF  }
0x6f: {  	[sflag:s0] =	ssyncadd.tile.s32 @!p0 $0x1;
	_ =	shalt  }
.Lfunc_end2:
_tile_overlayer_lowered:
.L_overlay_start_2:
0x70: {  	(tag) =	ssettag $0x2  }
0x71: {  	s0 =	rddreg [dreg:$0x0];
	s2 =	stileid.u32  }
0x72: {  	s1 =	rddreg [dreg:$0x1];
	p0 =	sne.s32 s2, $0x0  }
0x73: {  	s3 =	rddreg [dreg:$0x2];
	[bflag:$0x3] =	sbarrier.arrive $0xFFFF;
	s2 =	simm.s32 @!p0 $0x1C04  }
0x74: {  	[timem:s3], [sflag:s2] =	dma.local @!p0 [hbm:s0], s1  }
0x75: {  	s0 =	simm.s32 @!p0 $0x4  }
0x76: {  	_ =	swait.ge @!p0 [sflag:s0], s1  }
0x77: {  	s1 =	ssub.s32 @!p0 $0x0, s1;
	[sflag:s0] =	ssyncset.done @!p0 $0x0  }
0x78: {  	[sflag:s0] =	ssyncadd.s32 @!p0 s1  }
0x79: {  	[bflag:$0x3] =	sbarrier.arrive $0xFFFF  }
0x7a: {  	_ =	shalt  }

// kernel: kernel.7.cloned.1.call-start
scs
__scs_entry_jumppad:
0x0: {  	(pc) =	sbr.rel $0x88, $3  }
0x1: {  	(tag) =	ssettag $0x0;
	lr =	simm.s32 $0x1  }
0x2: {  	[smem:$0x3F99] =	sst lr;
	_ =	strace $0xD0000000  }
0x3: {  	_ = 	snop  }
0x4: {  	_ = 	snop  }
0x5: {  	_ = 	snop  }
0x6: {  	_ = 	snop  }
0x7: {  	_ = 	snop  }
__scs_overlays_trampoline_lowered:
0x8: {  	[smem:$0x3FA8] =	sst s0  }
0x9: {  	[smem:$0x3FA9] =	sst s1  }
0xa: {  	[smem:$0x3FAA] =	sst s2  }
0xb: {  	[smem:$0x3FAB] =	sst s3  }
0xc: {  	[smem:$0x3FAC] =	sst s4  }
0xd: {  	[smem:$0x3FAD] =	sst s5  }
0xe: {  	[smem:$0x3FAE] =	sst s6  }
0xf: {  	[smem:$0x3FAF] =	sst s7  }
0x10: {  	[smem:$0x3FB0] =	sst s8  }
0x11: {  	[smem:$0x3FB1] =	sst s9;
	s0 =	simm.s32 @!p0 $0x0  }
0x12: {  	s1 =	sld [smem:$0x3F97];
	s0 =	simm.s32 @p0 $0x1  }
0x13: {  	[smem:$0x3FB2] =	sst s0;
	s0 =	simm.s32 @!p1 $0x0  }
0x14: {  	s2 =	sld [smem:$0x3F96];
	s0 =	simm.s32 @p1 $0x1  }
0x15: {  	[smem:$0x3FB3] =	sst s0;
	s0 =	simm.s32 @!p2 $0x0  }
0x16: {  	s3 =	sld [smem:$0x3FDB];
	s0 =	simm.s32 @p2 $0x1  }
0x17: {  	s4 =	simm.s32 $0x1BF5;
	[smem:$0x3FB5] =	sst s0  }
0x18: {  	s0 =	sld [smem:$0x3F98];
	_ =	swait.ge [sflag:s4], $0x0  }
0x19: {  	s7 =	sld [smem:$0x3F99]  }
0x1a: {  	s8 =	sadd.s32 $0xFFFFE003, lr  }
0x1b: {  	s9 =	sadd.s32 $0xFFFFFEF7, lr;
	s5 =	simm.s32 $0xFFFFFFFF;
	p2 =	slt.u32 s8, $0xFFFFF086  }
0x1c: {  	p1 =	slt.u32 s9, $0xF7A;
	s5 =	simm.s32 @!p2 $0x0  }
0x1d: {  	s5 =	simm.s32 @p1 $0x1;
	p0 =	seq.s32 s7, s2  }
0x1e: {  	s7 =	smul.u32 @!p0 $0xF7A, s2;
	p2 =	seq.s32 @!p0 s5, $0x0  }
0x1f: {  	s9 =	smul.u32 $0xF7A, s1;
	s8 =	simm.s32 @!p0 $0x1BF5;
	p2 =	por !p2, p0  }
0x20: {  	[sflag:s8] =	ssyncset.s32 @!p0 $0xFFFFF086;
	s6 =	sadd.s32 @!p0 s3, s7;
	s7 =	simm.s32 @!p0 $0x108  }
0x21: {  	s3 =	sadd.s32 s3, s9;
	s6 =	sadd.s32 @!p0 $0x88, s6;
	s7 =	simm.s32 @p2 $0x1082  }
0x22: {  	[simem:s7], [sflag:s8] =	dma.local @!p0 [hbm:s6], $0xF7A  }
0x23: {  	s9 =	sor.u32 $0xD0000000, s2;
	s6 =	simm.s32 $0x108;
	_ =	swait.ge @!p0 [sflag:s8], $0x0  }
0x24: {  	s3 =	sadd.s32 $0x88, s3;
	s6 =	simm.s32 @!p1 $0x1082;
	[sflag:s4] =	ssyncset.s32 $0xFFFFF086  }
0x25: {  	[simem:s6], [sflag:s4] =	dma.local [hbm:s3], $0xF7A  }
0x26: {  	[smem:$0x3F99] =	sst s1;
	(tag) =	ssettag s2;
	_ =	strace s9  }
0x27: {  	s1 =	sld [smem:$0x3FA9]  }
0x28: {  	s2 =	sld [smem:$0x3FAA]  }
0x29: {  	s4 =	sld [smem:$0x3FAC]  }
0x2a: {  	p0 =	seq.s32 s5, $0x0;
	s5 =	sld [smem:$0x3FAD]  }
0x2b: {  	s6 =	sld [smem:$0x3FAE]  }
0x2c: {  	s7 =	sld [smem:$0x3FAF]  }
0x2d: {  	s3 =	simm.s32 $0x108;
	s8 =	sld [smem:$0x3FB0]  }
0x2e: {  	s3 =	simm.s32 @!p0 $0x1082;
	s9 =	sld [smem:$0x3FB1]  }
0x2f: {  	lr =	sadd.s32 s0, s3;
	s0 =	sld [smem:$0x3FA8]  }
0x30: {  	s3 =	sld [smem:$0x3FAB]  }
0x31: {  	[smem:$0x3FB4] =	sst s10  }
0x32: {  	s10 =	sld [smem:$0x3FB2];
	_ =	sdelay $0x3  }
0x33: {  	p0 =	seq.s32 s10, $0x1;
	s10 =	sld [smem:$0x3FB4];
	_ =	sdelay $0x3  }
0x34: {  	[smem:$0x3FB4] =	sst s10  }
0x35: {  	s10 =	sld [smem:$0x3FB3];
	_ =	sdelay $0x3  }
0x36: {  	p1 =	seq.s32 s10, $0x1;
	s10 =	sld [smem:$0x3FB4];
	_ =	sdelay $0x3  }
0x37: {  	[smem:$0x3FB4] =	sst s10  }
0x38: {  	s10 =	sld [smem:$0x3FB5]  }
0x39: {  	_ = 	snop;
	(pc) =	sbr.ind lr, $3  }
0x3a: {  	_ = 	snop  }
0x3b: {  	_ = 	snop  }
0x3c: {  	p2 =	seq.s32 s10, $0x1;
	s10 =	sld [smem:$0x3FB4]  }
0x3d: {  	_ =	shalt  }
0x3e: {  	_ =	shalt  }
0x3f: {  	_ =	shalt  }
0x40: {  	_ =	shalt  }
0x41: {  	_ =	shalt  }
0x42: {  	_ =	shalt  }
0x43: {  	_ =	shalt  }
0x44: {  	_ =	shalt  }
0x45: {  	_ =	shalt  }
0x46: {  	_ =	shalt  }
0x47: {  	_ =	shalt  }
0x48: {  	_ =	shalt  }
0x49: {  	_ =	shalt  }
0x4a: {  	_ =	shalt  }
0x4b: {  	_ =	shalt  }
0x4c: {  	_ =	shalt  }
0x4d: {  	_ =	shalt  }
0x4e: {  	_ =	shalt  }
0x4f: {  	_ =	shalt  }
0x50: {  	_ =	shalt  }
0x51: {  	_ =	shalt  }
0x52: {  	_ =	shalt  }
0x53: {  	_ =	shalt  }
0x54: {  	_ =	shalt  }
0x55: {  	_ =	shalt  }
0x56: {  	_ =	shalt  }
0x57: {  	_ =	shalt  }
0x58: {  	_ =	shalt  }
0x59: {  	_ =	shalt  }
0x5a: {  	_ =	shalt  }
0x5b: {  	_ =	shalt  }
0x5c: {  	_ =	shalt  }
0x5d: {  	_ =	shalt  }
0x5e: {  	_ =	shalt  }
0x5f: {  	_ =	shalt  }
0x60: {  	_ =	shalt  }
0x61: {  	_ =	shalt  }
0x62: {  	_ =	shalt  }
0x63: {  	_ =	shalt  }
0x64: {  	_ =	shalt  }
0x65: {  	_ =	shalt  }
0x66: {  	_ =	shalt  }
0x67: {  	_ =	shalt  }
0x68: {  	_ =	shalt  }
0x69: {  	_ =	shalt  }
0x6a: {  	_ =	shalt  }
0x6b: {  	_ =	shalt  }
0x6c: {  	_ =	shalt  }
0x6d: {  	_ =	shalt  }
0x6e: {  	_ =	shalt  }
0x6f: {  	_ =	shalt  }
0x70: {  	_ =	shalt  }
0x71: {  	_ =	shalt  }
0x72: {  	_ =	shalt  }
0x73: {  	_ =	shalt  }
0x74: {  	_ =	shalt  }
0x75: {  	_ =	shalt  }
0x76: {  	_ =	shalt  }
0x77: {  	_ =	shalt  }
0x78: {  	_ =	shalt  }
0x79: {  	_ =	shalt  }
0x7a: {  	_ =	shalt  }
0x7b: {  	_ =	shalt  }
0x7c: {  	_ =	shalt  }
0x7d: {  	_ =	shalt  }
0x7e: {  	_ =	shalt  }
0x7f: {  	_ =	shalt  }
0x80: {  	_ =	shalt  }
0x81: {  	_ =	shalt  }
0x82: {  	_ =	shalt  }
0x83: {  	_ =	shalt  }
0x84: {  	_ =	shalt  }
0x85: {  	_ =	shalt  }
0x86: {  	_ =	shalt  }
0x87: {  	_ =	shalt  }
.Lfunc_end0:
.L_simem_size_0:
called_computation_lowered:
.L_overlay_start_0:
0x88: {  	s2 =	sld [smem:$0x3FD9]  }
0x89: {  	s3 =	sld [smem:$0x3FFE];
	_ =	sdelay $0x1  }
0x8a: {  	s1 =	srdreg.scid  }
0x8b: {  	s0 =	sand.u32 $0x1, s1  }
0x8c: {  	s17 =	sshll.u32 s0, $0xA;
	s2 =	sadd.s32 s3, s2  }
0x8d: {  	s2 =	sadd.s32 s2, s17  }
0x8e: {  	[smem:$0x3FC0] =	sst s2  }
0x8f: {  	_ = 	snop  }
0x90: {  	(tm) =	ssettm $0x1  }
0x91: {  	s18 =	sld [smem:$0x3FFB];
	_ =	sdelay $0x3  }
0x92: {  	_ =	strace s18  }
0x93: {  	s2 =	sld [smem:$0x3FFC];
	_ =	sdelay $0x3  }
0x94: {  	_ =	strace s2  }
0x95: {  	s2 =	sld [smem:$0x3FFD];
	_ =	sdelay $0x3  }
0x96: {  	_ =	strace s2  }
0x97: {  	_ =	strace $0x8FFFFFFF  }
0x98: {  	s19 =	sld [smem:$0x3FDB];
	_ =	sdelay $0x1  }
0x99: {  	s20 =	simm.s32 $_scs_section_size  }
0x9a: {  	s4 =	simm.s32 $_size__tile_overlayer_lowered;
	s5 =	simm.s32 $_tile_overlayer_lowered  }
0x9b: {  	s6 =	simm.s32 $0x1BFF;
	s21 =	sshll.u32 s5, $0x1;
	s3 =	sadd.s32 s20, s19  }
0x9c: {  	s22 =	simm.s32 $0x0;
	s4 =	sshll.u32 s4, $0x1;
	s5 =	sadd.s32 s21, s3  }
0x9d: {  	[timem:s22], [sflag:s6] =	dma.local [hbm:s5], s4  }
0x9e: {  	_ =	swait.ge [sflag:s6], s4  }
0x9f: {  	s4 =	ssub.s32 $0x0, s4;
	[sflag:s6] =	ssyncset.done $0x0  }
0xa0: {  	[sflag:s6] =	ssyncadd.s32 s4;
	_ =	sdelay $0x1  }
0xa1: {  	s23 =	simm.s32 $0x1B8B  }
0xa2: {  	_ =	swait.ge [sflag:s23], $0x1  }
0xa3: {  	[sflag:s23] =	ssyncset.done $0x0  }
0xa4: {  	[sflag:s23] =	ssyncadd.s32 $0xFFFFFFFF  }
0xa5: {  	s4 =	sld [smem:$0x0]  }
0xa6: {  	s5 =	sand.u32 $0xFFFFFFFE, s1  }
0xa7: {  	p0 =	sne.s32 s1, s5  }
0xa8: {  	s5 =	sshll.u32 @p0 s5, $0xE  }
0xa9: {  	s5 =	sadd.s32 @p0 $0x11B8D, s5;
	s6 =	sshll.u32 @p0 s4, $0x11  }
0xaa: {  	s5 =	sor.u32 @p0 s6, s5  }
0xab: {  	[sflag:s5] =	ssyncadd.remote.s32 @p0 $0x1;
	_ =	sdelay $0x1  }
0xac: {  	s5 =	simm.s32 @p0 $0x1B8D  }
0xad: {  	_ =	swait.eq @p0 [sflag:s5], $0x1  }
0xae: {  	[sflag:s5] =	ssyncadd.s32 @p0 $0xFFFFFFFF  }
0xaf: {  	s6 =	sshll.u32 @!p0 s1, $0xE  }
0xb0: {  	s6 =	sor.u32 @!p0 $0x4000, s6;
	s5 =	simm.s32 @!p0 $0x1B8D  }
0xb1: {  	s4 =	sshll.u32 @!p0 s4, $0x11;
	s6 =	sadd.s32 @!p0 $0x11B8D, s6;
	_ =	swait.eq @!p0 [sflag:s5], $0x1  }
0xb2: {  	s4 =	sor.u32 @!p0 s4, s6;
	[sflag:s5] =	ssyncadd.s32 @!p0 $0xFFFFFFFF  }
0xb3: {  	s25 =	simm.s32 $0x1B8E;
	s24 =	sld [smem:$0x3FFE];
	[sflag:s4] =	ssyncadd.remote.s32 @!p0 $0x1  }
0xb4: {  	s26 =	simm.s32 $execute0_lowered;
	[smem:$0x3FD2] =	sst s25  }
0xb5: {  	s5 =	sshll.u32 s26, $0x1;
	_ =	strace $0x80000049;
	[dreg:$0x1] =	wrdreg $0xFFFFFFFF  }
0xb6: {  	s28 =	simm.s32 $_size_execute0_lowered;
	s3 =	sadd.s32 s3, s5;
	[dreg:$0x0] =	wrdreg $0x0  }
0xb7: {  	s5 =	sshll.u32 s28, $0x1;
	[dreg:$0x2] =	wrdreg s3  }
0xb8: {  	[dreg:$0x3] =	wrdreg s5  }
0xb9: {  	[dreg:$0x4] =	wrdreg $0xC0  }
0xba: {  	_ =	task [dreg:s22], $0x5FFFF  }
0xbb: {  	[dreg:$0x1] =	wrdreg $0xFFFFFFFF  }
0xbc: {  	[dreg:$0x0] =	wrdreg $0x60  }
0xbd: {  	[dreg:$0x2] =	wrdreg s24  }
0xbe: {  	[dreg:$0x3] =	wrdreg $0x0  }
0xbf: {  	[dreg:$0x4] =	wrdreg $0x9  }
0xc0: {  	_ =	task.clear_ibuf [dreg:s22], $0x5FFFF;
	_ =	strace $0x90000049  }
0xc1: {  	s29 =	simm.s32 $0x9;
	_ =	strace $0x8000004B  }
0xc2: {  	_ =	swait.ge [sflag:s29], $0x1  }
0xc3: {  	[sflag:s29] =	ssyncadd.s32 $0xFFFFFFFF  }
0xc4: {  	_ =	strace $0x9000004B  }
0xc5: {  	_ =	sfence  }
0xc6: {  	s30 =	sld [smem:$0x0];
	_ =	sdelay $0x2  }
0xc7: {  	s31 =	sshll.u32 s1, $0xD;
	s1 =	sshrl.u32 s1, $0x2  }
0xc8: {  	s4 =	sand.u32 $0x4000, s31;
	s1 =	sadd.s32 s1, s30  }
0xc9: {  	s0 =	sor.u32 s4, s0;
	s1 =	sshll.u32 s1, $0x11  }
0xca: {  	s0 =	sor.u32 s1, s0  }
0xcb: {  	s0 =	sadd.s32 $0x8F2B, s0  }
0xcc: {  	[sflag:s0] =	ssyncadd.remote.s32 $0x1  }
0xcd: {  	_ =	sfence.sel $0xFFFF  }
0xce: {  	[dreg:$0x0] =	wrdreg $0xFFFFFFFF;
	(pc) =	sbr.abs _section_cstart, $3  }
0xcf: {  	[dreg:$0x1] =	wrdreg $0xFFFFFFFF  }
0xd0: {  	_ =	task.clear_ibuf [dreg:s22], $0x2FFFF;
	_ =	strace $0x9FFFFFFF  }
0xd1: {  	(tm) =	ssettm $0x7FFFFFFF  }
tec
execute0_lowered:
.L_overlay_start_1:
0x0: {  	(tag) =	ssettag $0x1  }
0x1: {  	s0 =	rddreg [dreg:$0x0]  }
0x2: {  	s1 =	rddreg [dreg:$0x1]  }
0x3: {  	s2 =	srdreg.scid;
	s4 =	simm.s32 $0x0;
	s9 =	stileid.u32  }
0x4: {  	s11 =	simm.s32 $0x2;
	s12 =	simm.s32 $0x14000;
	s13 =	simm.s32 $0x80  }
0x5: {  	s14 =	simm.s32 $0x15400;
	s15 =	simm.s32 $0x14C80;
	s16 =	simm.s32 $0x14D00  }
0x6: {  	s17 =	simm.s32 $0x14D80;
	s18 =	simm.s32 $0x14E00;
	s28 =	simm.s32 $0x15280  }
0x7: {  	s29 =	simm.s32 $0x15300;
	s30 =	simm.s32 $0x15380;
	s31 =	simm.s32 $0x1  }
0x8: {  	s2 =	sand.u32 $0x1, s2;
	[smem:$0x7FF] =	sst s4;
	s19 =	smul.u32 $0x14000, s9  }
0x9: {  	s6 =	sadd.s32 $0xC200, s0;
	s20 =	sshll.u32 s9, $0x1;
	s21 =	smul.u32 $0x50000, s9  }
0xa: {  	s10 =	sadd.s32 $0x16200, s0;
	s24 =	sshll.u32 s9, $0x6;
	s9 =	simm.s32 $0x14C00  }
0xb: {  	s3 =	smul.u32 $0x140000, s2;
	_ =	strace $0x8000004A;
	s5 =	ssub.s32 $0x2, s2  }
0xc: {  	s2 =	sor.u32 s2, s20;
	[dreg:$0x3] =	wrdreg s10;
	s20 =	simm.s32 $0x14F00  }
0xd: {  	s7 =	sshrl.u32 s5, $0x1;
	s8 =	smul.u32 $0x2800, s2;
	s4 =	sshrl.u32 s21, $0x2  }
0xe: {  	s2 =	smul.u32 $0x500, s2;
	s21 =	simm.s32 $0x14F80;
	s3 =	sadd.s32 s19, s3  }
0xf: {  	s22 =	ssub.s32 s5, s7;
	s4 =	sadd.s32 s4, s1;
	s5 =	sor.u32 $0x1C02, s24  }
0x10: {  	s7 =	simm.s32 $0x14B00;
	s19 =	simm.s32 $0x14E80;
	s24 =	simm.s32 $0x15100  }
0x11: {  	s3 =	sshrl.u32 s3, $0x3;
	s23 =	sshrl.u32 s8, $0x3;
	s2 =	sadd.s32 s6, s2  }
0x12: {  	s26 =	smax.u32 s22, $0x1;
	s10 =	sshrl.u32 s4, $0x3;
	s4 =	simm.s32 $0x14A00  }
0x13: {  	s22 =	simm.s32 $0x15000;
	s0 =	sadd.s32 s3, s0;
	[dreg:$0x4] =	wrdreg s2  }
0x14: {  	s8 =	sadd.s32 s6, s23;
	[dreg:$0x7] =	wrdreg s26;
	s6 =	simm.s32 $0x14A80  }
0x15: {  	s23 =	simm.s32 $0x15080;
	s26 =	simm.s32 $0x15200;
	s25 =	sadd.s32 $0x280, s8  }
0x16: {  	s0 =	sadd.s32 $0x68A00, s0;
	s8 =	simm.s32 $0x14B80;
	[dreg:$0x5] =	wrdreg s25  }
0x17: {  	v0 =	vimm.f32 $1.000000000e+00;
	[dreg:$0x6] =	wrdreg s0;
	s25 =	simm.s32 $0x15180;
	s0 =	simm.s32 $0x0  }
.LBB2_1:
0x18: {  	s2 =	simm.s32 $0x0;
	s3 =	simm.s32 $0x200  }
.LBB2_2:
0x19: {  	p0 =	sne.s32 s3, $0xFE00;
	[tilespmem:s2+$0x15470] =	vst v0  }
0x1a: {  	[tilespmem:s2+$0x15400] =	vst v0  }
0x1b: {  	[tilespmem:s2+$0x15410] =	vst v0  }
.Ltmp0:
0x1c: {  	[tilespmem:s2+$0x15420] =	vst v0;
	(pc) =	sbr.rel @p0 .LBB2_2-.Ltmp0, $4  }
0x1d: {  	[tilespmem:s2+$0x15430] =	vst v0  }
0x1e: {  	[tilespmem:s2+$0x15440] =	vst v0  }
0x1f: {  	[tilespmem:s2+$0x15450] =	vst v0  }
0x20: {  	[tilespmem:s2+$0x15460] =	vst v0;
	s2 =	sshra.s32 s3, $0x2;
	s3 =	sadd.s32 $0x200, s3  }
0x21: {  	[tilespmem:s2+$0x15470] =	vst v0  }
0x22: {  	[tilespmem:s2+$0x15400] =	vst v0  }
0x23: {  	[tilespmem:s2+$0x15410] =	vst v0  }
0x24: {  	[tilespmem:s2+$0x15420] =	vst v0  }
0x25: {  	[tilespmem:s2+$0x15430] =	vst v0  }
0x26: {  	[tilespmem:s2+$0x15440] =	vst v0  }
0x27: {  	[tilespmem:s2+$0x15450] =	vst v0  }
0x28: {  	[tilespmem:s2+$0x15460] =	vst v0;
	s3 =	rddreg [dreg:$0x3]  }
0x29: {  	[spmem:s10], [sflag:s5] =	dma.local [hbm:s3], $0x2800  }
0x2a: {  	_ =	swait.ge [sflag:s11], $0x2800  }
0x2b: {  	[sflag:s11] =	ssyncset.done $0x0  }
0x2c: {  	[sflag:s11] =	ssyncadd.s32 $0xFFFFD800  }
0x2d: {  	[bflag:$0x0] =	sbarrier.arrive $0xFFFF  }
0x2e: {  	s2 =	simm.s32 $0x0;
	s3 =	rddreg [dreg:$0x4]  }
0x2f: {  	[tilespmem:s12], [sflag:$0x2] =	stream.linear.gather [hbm4b:s3+s2], $0x1400, $0x38;
	[tilespmem:$0x19400] =	vst v63  }
0x30: {  	_ =	swait.ge [sflag:s11], $0x1400  }
0x31: {  	[sflag:s11] =	ssyncset.done $0x0  }
0x32: {  	[sflag:s11] =	ssyncadd.s32 $0xFFFFEC00  }
0x33: {  	[spmem:s1] =	stream.indirect.scatter.add.f32 [tilespmem:s14], [sflag:$0x1], $0x80, s12, s13, $0xb8;
	[tilespmem:$0x19400] =	vst v63  }
0x34: {  	s3 =	simm.s32 $0x14080  }
0x35: {  	[spmem:s1] =	stream.indirect.scatter.add.f32 [tilespmem:s14], [sflag:$0x1], $0x80, s3, s13, $0xb8;
	[tilespmem:$0x19400] =	vst v63  }
0x36: {  	s3 =	simm.s32 $0x14100  }
0x37: {  	[spmem:s1] =	stream.indirect.scatter.add.f32 [tilespmem:s14], [sflag:$0x1], $0x80, s3, s13, $0xb8;
	[tilespmem:$0x19400] =	vst v63  }
0x38: {  	s3 =	simm.s32 $0x14180  }
0x39: {  	[spmem:s1] =	stream.indirect.scatter.add.f32 [tilespmem:s14], [sflag:$0x1], $0x80, s3, s13, $0xb8;
	[tilespmem:$0x19400] =	vst v63  }
0x3a: {  	s3 =	simm.s32 $0x14200  }
0x3b: {  	[spmem:s1] =	stream.indirect.scatter.add.f32 [tilespmem:s14], [sflag:$0x1], $0x80, s3, s13, $0xb8;
	[tilespmem:$0x19400] =	vst v63  }
0x3c: {  	s3 =	simm.s32 $0x14280  }
0x3d: {  	[spmem:s1] =	stream.indirect.scatter.add.f32 [tilespmem:s14], [sflag:$0x1], $0x80, s3, s13, $0xb8;
	[tilespmem:$0x19400] =	vst v63  }
0x3e: {  	s3 =	simm.s32 $0x14300  }
0x3f: {  	[spmem:s1] =	stream.indirect.scatter.add.f32 [tilespmem:s14], [sflag:$0x1], $0x80, s3, s13, $0xb8;
	[tilespmem:$0x19400] =	vst v63  }
0x40: {  	s3 =	simm.s32 $0x14380  }
0x41: {  	[spmem:s1] =	stream.indirect.scatter.add.f32 [tilespmem:s14], [sflag:$0x1], $0x80, s3, s13, $0xb8;
	[tilespmem:$0x19400] =	vst v63  }
0x42: {  	s3 =	simm.s32 $0x14400  }
0x43: {  	[spmem:s1] =	stream.indirect.scatter.add.f32 [tilespmem:s14], [sflag:$0x1], $0x80, s3, s13, $0xb8;
	[tilespmem:$0x19400] =	vst v63  }
0x44: {  	s3 =	simm.s32 $0x14480  }
0x45: {  	[spmem:s1] =	stream.indirect.scatter.add.f32 [tilespmem:s14], [sflag:$0x1], $0x80, s3, s13, $0xb8;
	[tilespmem:$0x19400] =	vst v63  }
0x46: {  	s3 =	simm.s32 $0x14500  }
0x47: {  	[spmem:s1] =	stream.indirect.scatter.add.f32 [tilespmem:s14], [sflag:$0x1], $0x80, s3, s13, $0xb8;
	[tilespmem:$0x19400] =	vst v63  }
0x48: {  	s3 =	simm.s32 $0x14580  }
0x49: {  	[spmem:s1] =	stream.indirect.scatter.add.f32 [tilespmem:s14], [sflag:$0x1], $0x80, s3, s13, $0xb8;
	[tilespmem:$0x19400] =	vst v63  }
0x4a: {  	s3 =	simm.s32 $0x14600  }
0x4b: {  	[spmem:s1] =	stream.indirect.scatter.add.f32 [tilespmem:s14], [sflag:$0x1], $0x80, s3, s13, $0xb8;
	[tilespmem:$0x19400] =	vst v63  }
0x4c: {  	s3 =	simm.s32 $0x14680  }
0x4d: {  	[spmem:s1] =	stream.indirect.scatter.add.f32 [tilespmem:s14], [sflag:$0x1], $0x80, s3, s13, $0xb8;
	[tilespmem:$0x19400] =	vst v63  }
0x4e: {  	s3 =	simm.s32 $0x14700  }
0x4f: {  	[spmem:s1] =	stream.indirect.scatter.add.f32 [tilespmem:s14], [sflag:$0x1], $0x80, s3, s13, $0xb8;
	[tilespmem:$0x19400] =	vst v63  }
0x50: {  	s3 =	simm.s32 $0x14780  }
0x51: {  	[spmem:s1] =	stream.indirect.scatter.add.f32 [tilespmem:s14], [sflag:$0x1], $0x80, s3, s13, $0xb8;
	[tilespmem:$0x19400] =	vst v63  }
0x52: {  	s3 =	simm.s32 $0x14800  }
0x53: {  	[spmem:s1] =	stream.indirect.scatter.add.f32 [tilespmem:s14], [sflag:$0x1], $0x80, s3, s13, $0xb8;
	[tilespmem:$0x19400] =	vst v63  }
0x54: {  	s3 =	simm.s32 $0x14880  }
0x55: {  	[spmem:s1] =	stream.indirect.scatter.add.f32 [tilespmem:s14], [sflag:$0x1], $0x80, s3, s13, $0xb8;
	[tilespmem:$0x19400] =	vst v63  }
0x56: {  	s3 =	simm.s32 $0x14900  }
0x57: {  	[spmem:s1] =	stream.indirect.scatter.add.f32 [tilespmem:s14], [sflag:$0x1], $0x80, s3, s13, $0xb8;
	[tilespmem:$0x19400] =	vst v63  }
0x58: {  	s3 =	simm.s32 $0x14980  }
0x59: {  	[spmem:s1] =	stream.indirect.scatter.add.f32 [tilespmem:s14], [sflag:$0x1], $0x80, s3, s13, $0xb8;
	[tilespmem:$0x19400] =	vst v63  }
0x5a: {  	_ = 	snop  }
0x5b: {  	[spmem:s1] =	stream.indirect.scatter.add.f32 [tilespmem:s14], [sflag:$0x1], $0x80, s4, s13, $0xb8;
	[tilespmem:$0x19400] =	vst v63  }
0x5c: {  	_ = 	snop  }
0x5d: {  	[spmem:s1] =	stream.indirect.scatter.add.f32 [tilespmem:s14], [sflag:$0x1], $0x80, s6, s13, $0xb8;
	[tilespmem:$0x19400] =	vst v63  }
0x5e: {  	_ = 	snop  }
0x5f: {  	[spmem:s1] =	stream.indirect.scatter.add.f32 [tilespmem:s14], [sflag:$0x1], $0x80, s7, s13, $0xb8;
	[tilespmem:$0x19400] =	vst v63  }
0x60: {  	_ = 	snop  }
0x61: {  	[spmem:s1] =	stream.indirect.scatter.add.f32 [tilespmem:s14], [sflag:$0x1], $0x80, s8, s13, $0xb8;
	[tilespmem:$0x19400] =	vst v63  }
0x62: {  	_ = 	snop  }
0x63: {  	[spmem:s1] =	stream.indirect.scatter.add.f32 [tilespmem:s14], [sflag:$0x1], $0x80, s9, s13, $0xb8;
	[tilespmem:$0x19400] =	vst v63  }
0x64: {  	_ = 	snop  }
0x65: {  	[spmem:s1] =	stream.indirect.scatter.add.f32 [tilespmem:s14], [sflag:$0x1], $0x80, s15, s13, $0xb8;
	[tilespmem:$0x19400] =	vst v63  }
0x66: {  	_ = 	snop  }
0x67: {  	[spmem:s1] =	stream.indirect.scatter.add.f32 [tilespmem:s14], [sflag:$0x1], $0x80, s16, s13, $0xb8;
	[tilespmem:$0x19400] =	vst v63  }
0x68: {  	_ = 	snop  }
0x69: {  	[spmem:s1] =	stream.indirect.scatter.add.f32 [tilespmem:s14], [sflag:$0x1], $0x80, s17, s13, $0xb8;
	[tilespmem:$0x19400] =	vst v63  }
0x6a: {  	_ = 	snop  }
0x6b: {  	[spmem:s1] =	stream.indirect.scatter.add.f32 [tilespmem:s14], [sflag:$0x1], $0x80, s18, s13, $0xb8;
	[tilespmem:$0x19400] =	vst v63  }
0x6c: {  	_ = 	snop  }
0x6d: {  	[spmem:s1] =	stream.indirect.scatter.add.f32 [tilespmem:s14], [sflag:$0x1], $0x80, s19, s13, $0xb8;
	[tilespmem:$0x19400] =	vst v63  }
0x6e: {  	_ = 	snop  }
0x6f: {  	[spmem:s1] =	stream.indirect.scatter.add.f32 [tilespmem:s14], [sflag:$0x1], $0x80, s20, s13, $0xb8;
	[tilespmem:$0x19400] =	vst v63  }
0x70: {  	_ = 	snop  }
0x71: {  	[spmem:s1] =	stream.indirect.scatter.add.f32 [tilespmem:s14], [sflag:$0x1], $0x80, s21, s13, $0xb8;
	[tilespmem:$0x19400] =	vst v63  }
0x72: {  	_ = 	snop  }
0x73: {  	[spmem:s1] =	stream.indirect.scatter.add.f32 [tilespmem:s14], [sflag:$0x1], $0x80, s22, s13, $0xb8;
	[tilespmem:$0x19400] =	vst v63  }
0x74: {  	_ = 	snop  }
0x75: {  	[spmem:s1] =	stream.indirect.scatter.add.f32 [tilespmem:s14], [sflag:$0x1], $0x80, s23, s13, $0xb8;
	[tilespmem:$0x19400] =	vst v63  }
0x76: {  	_ = 	snop  }
0x77: {  	[spmem:s1] =	stream.indirect.scatter.add.f32 [tilespmem:s14], [sflag:$0x1], $0x80, s24, s13, $0xb8;
	[tilespmem:$0x19400] =	vst v63  }
0x78: {  	_ = 	snop  }
0x79: {  	[spmem:s1] =	stream.indirect.scatter.add.f32 [tilespmem:s14], [sflag:$0x1], $0x80, s25, s13, $0xb8;
	[tilespmem:$0x19400] =	vst v63  }
0x7a: {  	_ = 	snop  }
0x7b: {  	[spmem:s1] =	stream.indirect.scatter.add.f32 [tilespmem:s14], [sflag:$0x1], $0x80, s26, s13, $0xb8;
	[tilespmem:$0x19400] =	vst v63  }
0x7c: {  	_ = 	snop  }
0x7d: {  	[spmem:s1] =	stream.indirect.scatter.add.f32 [tilespmem:s14], [sflag:$0x1], $0x80, s28, s13, $0xb8;
	[tilespmem:$0x19400] =	vst v63  }
0x7e: {  	_ = 	snop  }
0x7f: {  	[spmem:s1] =	stream.indirect.scatter.add.f32 [tilespmem:s14], [sflag:$0x1], $0x80, s29, s13, $0xb8;
	[tilespmem:$0x19400] =	vst v63  }
0x80: {  	_ = 	snop  }
0x81: {  	[spmem:s1] =	stream.indirect.scatter.add.f32 [tilespmem:s14], [sflag:$0x1], $0x80, s30, s13, $0xb8;
	[tilespmem:$0x19400] =	vst v63  }
0x82: {  	_ =	swait.ge [sflag:s31], $0x4000  }
0x83: {  	s2 =	simm.s32 $0x27;
	[sflag:s31] =	ssyncset.done $0x0  }
.LBB2_4:
0x84: {  	p0 =	sne.s32 s2, $0x1;
	s2 =	sadd.s32 $0xFFFFFFFF, s2;
	[sflag:s31] =	ssyncadd.s32 $0xFFFFC000  }
.Ltmp1:
0x85: {  	(pc) =	sbr.rel @p0 .LBB2_4-.Ltmp1, $3  }
0x86: {  	_ =	sdelay $0x1  }
0x87: {  	_ =	swait.ge [sflag:s31], $0x4000  }
0x88: {  	[sflag:s31] =	ssyncset.done $0x0  }
0x89: {  	[sflag:s31] =	ssyncadd.s32 $0xFFFFC000;
	s2 =	simm.s32 $0x0;
	s3 =	rddreg [dreg:$0x5]  }
0x8a: {  	[tilespmem:s12], [sflag:$0x2] =	stream.linear.gather [hbm4b:s3+s2], $0x1400, $0x38;
	[tilespmem:$0x19400] =	vst v63  }
0x8b: {  	_ =	swait.ge [sflag:s11], $0x1400  }
0x8c: {  	[sflag:s11] =	ssyncset.done $0x0  }
0x8d: {  	[sflag:s11] =	ssyncadd.s32 $0xFFFFEC00  }
0x8e: {  	[spmem:s1] =	stream.indirect.scatter.add.f32 [tilespmem:s14], [sflag:$0x1], $0x80, s12, s13, $0xb8;
	[tilespmem:$0x19400] =	vst v63  }
0x8f: {  	s3 =	simm.s32 $0x14080  }
0x90: {  	[spmem:s1] =	stream.indirect.scatter.add.f32 [tilespmem:s14], [sflag:$0x1], $0x80, s3, s13, $0xb8;
	[tilespmem:$0x19400] =	vst v63  }
0x91: {  	s3 =	simm.s32 $0x14100  }
0x92: {  	[spmem:s1] =	stream.indirect.scatter.add.f32 [tilespmem:s14], [sflag:$0x1], $0x80, s3, s13, $0xb8;
	[tilespmem:$0x19400] =	vst v63  }
0x93: {  	s3 =	simm.s32 $0x14180  }
0x94: {  	[spmem:s1] =	stream.indirect.scatter.add.f32 [tilespmem:s14], [sflag:$0x1], $0x80, s3, s13, $0xb8;
	[tilespmem:$0x19400] =	vst v63  }
0x95: {  	s3 =	simm.s32 $0x14200  }
0x96: {  	[spmem:s1] =	stream.indirect.scatter.add.f32 [tilespmem:s14], [sflag:$0x1], $0x80, s3, s13, $0xb8;
	[tilespmem:$0x19400] =	vst v63  }
0x97: {  	s3 =	simm.s32 $0x14280  }
0x98: {  	[spmem:s1] =	stream.indirect.scatter.add.f32 [tilespmem:s14], [sflag:$0x1], $0x80, s3, s13, $0xb8;
	[tilespmem:$0x19400] =	vst v63  }
0x99: {  	s3 =	simm.s32 $0x14300  }
0x9a: {  	[spmem:s1] =	stream.indirect.scatter.add.f32 [tilespmem:s14], [sflag:$0x1], $0x80, s3, s13, $0xb8;
	[tilespmem:$0x19400] =	vst v63  }
0x9b: {  	s3 =	simm.s32 $0x14380  }
0x9c: {  	[spmem:s1] =	stream.indirect.scatter.add.f32 [tilespmem:s14], [sflag:$0x1], $0x80, s3, s13, $0xb8;
	[tilespmem:$0x19400] =	vst v63  }
0x9d: {  	s3 =	simm.s32 $0x14400  }
0x9e: {  	[spmem:s1] =	stream.indirect.scatter.add.f32 [tilespmem:s14], [sflag:$0x1], $0x80, s3, s13, $0xb8;
	[tilespmem:$0x19400] =	vst v63  }
0x9f: {  	s3 =	simm.s32 $0x14480  }
0xa0: {  	[spmem:s1] =	stream.indirect.scatter.add.f32 [tilespmem:s14], [sflag:$0x1], $0x80, s3, s13, $0xb8;
	[tilespmem:$0x19400] =	vst v63  }
0xa1: {  	s3 =	simm.s32 $0x14500  }
0xa2: {  	[spmem:s1] =	stream.indirect.scatter.add.f32 [tilespmem:s14], [sflag:$0x1], $0x80, s3, s13, $0xb8;
	[tilespmem:$0x19400] =	vst v63  }
0xa3: {  	s3 =	simm.s32 $0x14580  }
0xa4: {  	[spmem:s1] =	stream.indirect.scatter.add.f32 [tilespmem:s14], [sflag:$0x1], $0x80, s3, s13, $0xb8;
	[tilespmem:$0x19400] =	vst v63  }
0xa5: {  	s3 =	simm.s32 $0x14600  }
0xa6: {  	[spmem:s1] =	stream.indirect.scatter.add.f32 [tilespmem:s14], [sflag:$0x1], $0x80, s3, s13, $0xb8;
	[tilespmem:$0x19400] =	vst v63  }
0xa7: {  	s3 =	simm.s32 $0x14680  }
0xa8: {  	[spmem:s1] =	stream.indirect.scatter.add.f32 [tilespmem:s14], [sflag:$0x1], $0x80, s3, s13, $0xb8;
	[tilespmem:$0x19400] =	vst v63  }
0xa9: {  	s3 =	simm.s32 $0x14700  }
0xaa: {  	[spmem:s1] =	stream.indirect.scatter.add.f32 [tilespmem:s14], [sflag:$0x1], $0x80, s3, s13, $0xb8;
	[tilespmem:$0x19400] =	vst v63  }
0xab: {  	s3 =	simm.s32 $0x14780  }
0xac: {  	[spmem:s1] =	stream.indirect.scatter.add.f32 [tilespmem:s14], [sflag:$0x1], $0x80, s3, s13, $0xb8;
	[tilespmem:$0x19400] =	vst v63  }
0xad: {  	s3 =	simm.s32 $0x14800  }
0xae: {  	[spmem:s1] =	stream.indirect.scatter.add.f32 [tilespmem:s14], [sflag:$0x1], $0x80, s3, s13, $0xb8;
	[tilespmem:$0x19400] =	vst v63  }
0xaf: {  	s3 =	simm.s32 $0x14880  }
0xb0: {  	[spmem:s1] =	stream.indirect.scatter.add.f32 [tilespmem:s14], [sflag:$0x1], $0x80, s3, s13, $0xb8;
	[tilespmem:$0x19400] =	vst v63  }
0xb1: {  	s3 =	simm.s32 $0x14900  }
0xb2: {  	[spmem:s1] =	stream.indirect.scatter.add.f32 [tilespmem:s14], [sflag:$0x1], $0x80, s3, s13, $0xb8;
	[tilespmem:$0x19400] =	vst v63  }
0xb3: {  	s3 =	simm.s32 $0x14980  }
0xb4: {  	[spmem:s1] =	stream.indirect.scatter.add.f32 [tilespmem:s14], [sflag:$0x1], $0x80, s3, s13, $0xb8;
	[tilespmem:$0x19400] =	vst v63  }
0xb5: {  	_ = 	snop  }
0xb6: {  	[spmem:s1] =	stream.indirect.scatter.add.f32 [tilespmem:s14], [sflag:$0x1], $0x80, s4, s13, $0xb8;
	[tilespmem:$0x19400] =	vst v63  }
0xb7: {  	_ = 	snop  }
0xb8: {  	[spmem:s1] =	stream.indirect.scatter.add.f32 [tilespmem:s14], [sflag:$0x1], $0x80, s6, s13, $0xb8;
	[tilespmem:$0x19400] =	vst v63  }
0xb9: {  	_ = 	snop  }
0xba: {  	[spmem:s1] =	stream.indirect.scatter.add.f32 [tilespmem:s14], [sflag:$0x1], $0x80, s7, s13, $0xb8;
	[tilespmem:$0x19400] =	vst v63  }
0xbb: {  	_ = 	snop  }
0xbc: {  	[spmem:s1] =	stream.indirect.scatter.add.f32 [tilespmem:s14], [sflag:$0x1], $0x80, s8, s13, $0xb8;
	[tilespmem:$0x19400] =	vst v63  }
0xbd: {  	_ = 	snop  }
0xbe: {  	[spmem:s1] =	stream.indirect.scatter.add.f32 [tilespmem:s14], [sflag:$0x1], $0x80, s9, s13, $0xb8;
	[tilespmem:$0x19400] =	vst v63  }
0xbf: {  	_ = 	snop  }
0xc0: {  	[spmem:s1] =	stream.indirect.scatter.add.f32 [tilespmem:s14], [sflag:$0x1], $0x80, s15, s13, $0xb8;
	[tilespmem:$0x19400] =	vst v63  }
0xc1: {  	_ = 	snop  }
0xc2: {  	[spmem:s1] =	stream.indirect.scatter.add.f32 [tilespmem:s14], [sflag:$0x1], $0x80, s16, s13, $0xb8;
	[tilespmem:$0x19400] =	vst v63  }
0xc3: {  	_ = 	snop  }
0xc4: {  	[spmem:s1] =	stream.indirect.scatter.add.f32 [tilespmem:s14], [sflag:$0x1], $0x80, s17, s13, $0xb8;
	[tilespmem:$0x19400] =	vst v63  }
0xc5: {  	_ = 	snop  }
0xc6: {  	[spmem:s1] =	stream.indirect.scatter.add.f32 [tilespmem:s14], [sflag:$0x1], $0x80, s18, s13, $0xb8;
	[tilespmem:$0x19400] =	vst v63  }
0xc7: {  	_ = 	snop  }
0xc8: {  	[spmem:s1] =	stream.indirect.scatter.add.f32 [tilespmem:s14], [sflag:$0x1], $0x80, s19, s13, $0xb8;
	[tilespmem:$0x19400] =	vst v63  }
0xc9: {  	_ = 	snop  }
0xca: {  	[spmem:s1] =	stream.indirect.scatter.add.f32 [tilespmem:s14], [sflag:$0x1], $0x80, s20, s13, $0xb8;
	[tilespmem:$0x19400] =	vst v63  }
0xcb: {  	_ = 	snop  }
0xcc: {  	[spmem:s1] =	stream.indirect.scatter.add.f32 [tilespmem:s14], [sflag:$0x1], $0x80, s21, s13, $0xb8;
	[tilespmem:$0x19400] =	vst v63  }
0xcd: {  	_ = 	snop  }
0xce: {  	[spmem:s1] =	stream.indirect.scatter.add.f32 [tilespmem:s14], [sflag:$0x1], $0x80, s22, s13, $0xb8;
	[tilespmem:$0x19400] =	vst v63  }
0xcf: {  	_ = 	snop  }
0xd0: {  	[spmem:s1] =	stream.indirect.scatter.add.f32 [tilespmem:s14], [sflag:$0x1], $0x80, s23, s13, $0xb8;
	[tilespmem:$0x19400] =	vst v63  }
0xd1: {  	_ = 	snop  }
0xd2: {  	[spmem:s1] =	stream.indirect.scatter.add.f32 [tilespmem:s14], [sflag:$0x1], $0x80, s24, s13, $0xb8;
	[tilespmem:$0x19400] =	vst v63  }
0xd3: {  	_ = 	snop  }
0xd4: {  	[spmem:s1] =	stream.indirect.scatter.add.f32 [tilespmem:s14], [sflag:$0x1], $0x80, s25, s13, $0xb8;
	[tilespmem:$0x19400] =	vst v63  }
0xd5: {  	_ = 	snop  }
0xd6: {  	[spmem:s1] =	stream.indirect.scatter.add.f32 [tilespmem:s14], [sflag:$0x1], $0x80, s26, s13, $0xb8;
	[tilespmem:$0x19400] =	vst v63  }
0xd7: {  	_ = 	snop  }
0xd8: {  	[spmem:s1] =	stream.indirect.scatter.add.f32 [tilespmem:s14], [sflag:$0x1], $0x80, s28, s13, $0xb8;
	[tilespmem:$0x19400] =	vst v63  }
0xd9: {  	_ = 	snop  }
0xda: {  	[spmem:s1] =	stream.indirect.scatter.add.f32 [tilespmem:s14], [sflag:$0x1], $0x80, s29, s13, $0xb8;
	[tilespmem:$0x19400] =	vst v63  }
0xdb: {  	_ = 	snop  }
0xdc: {  	[spmem:s1] =	stream.indirect.scatter.add.f32 [tilespmem:s14], [sflag:$0x1], $0x80, s30, s13, $0xb8;
	[tilespmem:$0x19400] =	vst v63  }
0xdd: {  	_ =	swait.ge [sflag:s31], $0x4000  }
0xde: {  	s2 =	simm.s32 $0x27;
	[sflag:s31] =	ssyncset.done $0x0  }
.LBB2_6:
0xdf: {  	p0 =	sne.s32 s2, $0x1;
	s2 =	sadd.s32 $0xFFFFFFFF, s2;
	[sflag:s31] =	ssyncadd.s32 $0xFFFFC000  }
.Ltmp2:
0xe0: {  	(pc) =	sbr.rel @p0 .LBB2_6-.Ltmp2, $3  }
0xe1: {  	_ =	sdelay $0x1  }
0xe2: {  	_ =	swait.ge [sflag:s31], $0x4000  }
0xe3: {  	[sflag:s31] =	ssyncset.done $0x0  }
0xe4: {  	[sflag:s31] =	ssyncadd.s32 $0xFFFFC000  }
0xe5: {  	[bflag:$0x0] =	sbarrier.arrive $0xFFFF  }
0xe6: {  	s2 =	rddreg [dreg:$0x6]  }
0xe7: {  	[hbm:s2], [sflag:s5] =	dma.local [spmem:s10], $0x2800  }
0xe8: {  	_ =	swait.ge [sflag:s11], $0x2800  }
0xe9: {  	s0 =	sadd.s32 $0x1, s0;
	s3 =	rddreg [dreg:$0x7]  }
0xea: {  	p0 =	sne.s32 s0, s3  }
.Ltmp3:
0xeb: {  	_ = 	snop;
	(pc) =	sbr.rel @p0 .LBB2_1-.Ltmp3, $3  }
0xec: {  	_ =	sdelay $0x1  }
0xed: {  	[sflag:s11] =	ssyncset.done $0x0  }
0xee: {  	[sflag:s11] =	ssyncadd.s32 $0xFFFFD800  }
0xef: {  	_ =	sfence.sel $0x180000  }
0xf0: {  	[bflag:$0x0] =	sbarrier.arrive $0xFFFF  }
0xf1: {  	_ =	strace $0x9000004A  }
0xf2: {  	s0 =	stileid.u32;
	[bflag:$0x2] =	sbarrier.arrive $0xFFFF  }
0xf3: {  	p0 =	sne.s32 s0, $0x0;
	s0 =	rddreg [dreg:$0x2]  }
0xf4: {  	s0 =	sadd.s32 @!p0 $0x100000, s0  }
0xf5: {  	[sflag:s0] =	ssyncadd.tile.s32 @!p0 $0x1;
	_ =	shalt  }
.Lfunc_end2:
_tile_overlayer_lowered:
.L_overlay_start_2:
0xf6: {  	(tag) =	ssettag $0x2  }
0xf7: {  	s0 =	rddreg [dreg:$0x0];
	s2 =	stileid.u32  }
0xf8: {  	s1 =	rddreg [dreg:$0x1];
	p0 =	sne.s32 s2, $0x0  }
0xf9: {  	s3 =	rddreg [dreg:$0x2];
	[bflag:$0x3] =	sbarrier.arrive $0xFFFF;
	s2 =	simm.s32 @!p0 $0x1C02  }
0xfa: {  	[timem:s3], [sflag:s2] =	dma.local @!p0 [hbm:s0], s1  }
0xfb: {  	s0 =	simm.s32 @!p0 $0x2  }
0xfc: {  	_ =	swait.ge @!p0 [sflag:s0], s1  }
0xfd: {  	s1 =	ssub.s32 @!p0 $0x0, s1;
	[sflag:s0] =	ssyncset.done @!p0 $0x0  }
0xfe: {  	[sflag:s0] =	ssyncadd.s32 @!p0 s1  }
0xff: {  	[bflag:$0x3] =	sbarrier.arrive $0xFFFF  }
0x100: {  	_ =	shalt  }

</sc_bundles>
